<compile_context>
chip_gen: v7x
topology: tpu7x:2x2x1
jax: 0.10.2.dev20260603
libtpu: 0.0.44.dev20260713+nightly
codegen_flags: <defaults>
</compile_context>

<pallas_src>
import jax
import jax.numpy as jnp
from jax import lax
from jax.experimental import pallas as pl
from jax.experimental.pallas import tpu as pltpu
from jax.experimental.pallas import tpu_sc as plsc

N_NODES = 10000
N_PAD = 10240
N_EDGES = 320000
D_FEAT = 128
EB = N_EDGES // 128

NUM_CORES = 2
NUM_SUBCORES = 16
NW = NUM_CORES * NUM_SUBCORES
BPC = 20
CHUNK = BPC * 128
N_CHUNKS = EB // BPC
_LN2 = 0.6931471805599453


def _mm_body(x_ref, w_ref, o_ref):
    xb = x_ref[:]
    w = w_ref[:]
    xp = jnp.concatenate(
        [xb, jnp.zeros((N_PAD - N_NODES, D_FEAT), jnp.float32)], axis=0
    )
    dn = (((1,), (1,)), ((), ()))
    ws = w * 2.0
    t1 = lax.dot_general(ws[:, :D_FEAT], xp, dn, preferred_element_type=jnp.float32)
    t2 = lax.dot_general(ws[:, D_FEAT:], xp, dn, preferred_element_type=jnp.float32)
    o_ref[:] = jnp.concatenate([t1, t2 - _LN2], axis=0)


_mm_call = pl.pallas_call(
    _mm_body,
    out_shape=jax.ShapeDtypeStruct((8, N_PAD), jnp.float32),
)


MAXCH = -(-N_CHUNKS // NW)


def _sc_body(
    table_hbm, q_hbm, p_hbm, table_v, idx0, idx1, out0, out1, si0, si1, so0, so1
):
    wid = lax.axis_index("s") * NUM_CORES + lax.axis_index("c")
    idx = (idx0, idx1)
    out = (out0, out1)
    si = (si0, si1)
    so = (so0, so1)

    def q_slice(ci):
        return q_hbm.at[pl.ds(ci * BPC, BPC)]

    def p_slice(ci):
        return p_hbm.at[:, pl.ds(ci * BPC, BPC), :, :]

    def fire_idx(ci, b):
        @pl.when(ci < N_CHUNKS)
        def _():
            pltpu.async_copy(q_slice(ci), idx[b], si[b])

    def compute(b):
        @plsc.parallel_loop(0, CHUNK // 16, unroll=4)
        def _(g):
            eb = g // 8
            o = (g % 8) * 16
            r = idx[b][eb, 0, pl.ds(o, 16)]
            c = idx[b][eb, 1, pl.ds(o, 16)]
            for j in range(4):
                yj = plsc.load_gather(table_v, [jnp.full((16,), j, jnp.int32), r])
                zj = plsc.load_gather(table_v, [jnp.full((16,), j + 4, jnp.int32), c])
                s = yj + zj
                t = 1.0 - 1.0 / (jnp.exp(s) + 0.5)
                out[b][j // 2, eb, j % 2, pl.ds(o, 16)] = t

    fire_idx(wid, 0)
    fire_idx(wid + NW, 1)
    pltpu.sync_copy(table_hbm, table_v)

    def pair_body(i, carry):
        for b in range(2):
            ch = 2 * i + b
            ci = wid + ch * NW
            ci_prev = ci - 2 * NW

            @pl.when(jnp.logical_and(ch >= 2, ci_prev < N_CHUNKS))
            def _():
                pltpu.make_async_copy(out[b], p_slice(ci_prev), so[b]).wait()

            @pl.when(ci < N_CHUNKS)
            def _():
                pltpu.make_async_copy(q_slice(ci), idx[b], si[b]).wait()
                compute(b)
                pltpu.async_copy(out[b], p_slice(ci), so[b])

            fire_idx(ci + 2 * NW, b)
        return carry

    lax.fori_loop(0, MAXCH // 2, pair_body, 0)

    for ch in (MAXCH - 2, MAXCH - 1):
        ci = wid + ch * NW

        @pl.when(ci < N_CHUNKS)
        def _():
            pltpu.make_async_copy(out[ch % 2], p_slice(ci), so[ch % 2]).wait()


_sc_call = pl.kernel(
    _sc_body,
    out_type=jax.ShapeDtypeStruct((2, EB, 2, 128), jnp.float32),
    mesh=plsc.VectorSubcoreMesh(core_axis_name="c", subcore_axis_name="s"),
    compiler_params=pltpu.CompilerParams(
        needs_layout_passes=False, use_tc_tiling_on_sc=False
    ),
    scratch_types=[
        pltpu.VMEM((8, N_PAD), jnp.float32),
        pltpu.VMEM((BPC, 2, 128), jnp.int32),
        pltpu.VMEM((BPC, 2, 128), jnp.int32),
        pltpu.VMEM((2, BPC, 2, 128), jnp.float32),
        pltpu.VMEM((2, BPC, 2, 128), jnp.float32),
        pltpu.SemaphoreType.DMA,
        pltpu.SemaphoreType.DMA,
        pltpu.SemaphoreType.DMA,
        pltpu.SemaphoreType.DMA,
    ],
)


@jax.jit
def kernel(x, edge_index, W):
    table = _mm_call(x, W)
    q = jnp.transpose(edge_index.astype(jnp.int32).reshape(2, EB, 128), (1, 0, 2))
    p = _sc_call(table, q)
    return jnp.transpose(p, (1, 3, 0, 2)).reshape(N_EDGES, 2, 2)

# --- scband reference (transcript-rebuilt; emitter-appended) ---
"""Pipeline reference for scband-local-concat-sheaf-learner-8976481648843 (READ-ONLY COPY).

The authoritative reference and input builder live on the scoring server;
editing this copy changes nothing except your own understanding.
"""

import jax, jax.numpy as jnp
import numpy as np

N_NODES = 10000
N_EDGES = 320000
D_FEAT = 128
OUT_SHAPE = (2, 2)

def setup_inputs(seed: int = 0) -> dict:
    key = jax.random.key(seed)
    k1, k2, k3 = jax.random.split(key, 3)
    x = jax.random.normal(k1, (N_NODES, D_FEAT), dtype=jnp.float32)
    edge_index = jax.random.randint(k2, (2, N_EDGES), 0, N_NODES, dtype=jnp.int64)
    # Linear layer weight: torch nn.Linear(in=2*D_FEAT, out=prod(OUT_SHAPE), bias=False)
    # torch weight shape is [out_features, in_features]
    out_features = int(np.prod(OUT_SHAPE))
    bound = 1.0 / np.sqrt(2 * D_FEAT)
    W = jax.random.uniform(k3, (out_features, 2 * D_FEAT), dtype=jnp.float32, minval=-bound, maxval=bound)
    return {"x": x, "edge_index": edge_index, "W": W}

def reference(x, edge_index, W):
    row = edge_index[0]
    col = edge_index[1]
    # gather node features for each edge endpoint (SparseCore gather)
    x_row = jnp.take(x, row, axis=0)
    x_col = jnp.take(x, col, axis=0)
    cat = jnp.concatenate([x_row, x_col], axis=1)
    maps = cat @ W.T
    maps = jnp.tanh(maps)
    return maps.reshape(-1, OUT_SHAPE[0], OUT_SHAPE[1])

if __name__ == "__main__":
    import jax
    _d = setup_inputs()
    print(jax.jit(kernel)(*tuple(_d.values())))

</pallas_src>

<mosaic_0001>
#map = affine_map<(d0, d1) -> (0, 0)>
#map1 = affine_map<(d0, d1) -> (0, 0, 0)>
#map2 = affine_map<(d0, d1) -> (0, 0, 0, 0)>
module attributes {stable_mosaic.version = 14 : i64} {
  func.func @_sc_body(%arg0: i32, %arg1: i32, %arg2: memref<8x10240xf32, #tpu.memory_space<hbm>>, %arg3: memref<2500x2x128xi32, #tpu.memory_space<hbm>>, %arg4: memref<2x2500x2x128xf32, #tpu.memory_space<hbm>>, %arg5: memref<8x10240xf32, #tpu.memory_space<vmem>>, %arg6: memref<20x2x128xi32, #tpu.memory_space<vmem>>, %arg7: memref<20x2x128xi32, #tpu.memory_space<vmem>>, %arg8: memref<2x20x2x128xf32, #tpu.memory_space<vmem>>, %arg9: memref<2x20x2x128xf32, #tpu.memory_space<vmem>>, %arg10: memref<!tpu.dma_semaphore, #tpu.memory_space<semaphore_mem>>, %arg11: memref<!tpu.dma_semaphore, #tpu.memory_space<semaphore_mem>>, %arg12: memref<!tpu.dma_semaphore, #tpu.memory_space<semaphore_mem>>, %arg13: memref<!tpu.dma_semaphore, #tpu.memory_space<semaphore_mem>>) attributes {dimension_semantics = [#tpu.dimension_semantics<core_parallel>, #tpu.dimension_semantics<subcore_parallel>], iteration_bounds = array<i64: 2, 16>, scalar_prefetch = 0 : i64, scratch_operands = 9 : i64, tpu.core_type = #tpu.core_type<sc_vector_subcore>, window_params = [{transform_indices = #map}, {transform_indices = #map1}, {transform_indices = #map2}]} {
    %mul3A = arith.constant 2 : i32
    %mul3A_0 = arith.muli %arg1, %mul3A : i32
    %add3A = arith.addi %mul3A_0, %arg0 : i32
    %lt3A = arith.constant 125 : i32
    %lt3A_1 = arith.cmpi slt, %add3A, %lt3A : i32
    %convert_element_type3A = arith.extui %lt3A_1 : i1 to i32
    %cond3A = arith.constant 0 : i32
    %cond3A_2 = arith.cmpi ne, %convert_element_type3A, %cond3A : i32
    scf.if %cond3A_2 {
      %mul3A_29 = arith.constant 20 : i32
      %mul3A_30 = arith.muli %add3A, %mul3A_29 : i32
      %dma_start3A = arith.constant 0 : i32
      %dma_start3A_31 = arith.constant 0 : i32
      %dma_start3A_32 = tpu.memref_slice %arg3[%mul3A_30, %dma_start3A, %dma_start3A_31] : memref<2500x2x128xi32, #tpu.memory_space<hbm>> -> memref<20x2x128xi32, #tpu.memory_space<hbm>>
      %dma_start3A_33 = arith.constant 0 : i32
      %dma_start3A_34 = arith.constant 0 : i32
      %dma_start3A_35 = tpu.memref_slice %arg3[%mul3A_30, %dma_start3A_33, %dma_start3A_34] : memref<2500x2x128xi32, #tpu.memory_space<hbm>> -> memref<20x2x128xi32, #tpu.memory_space<hbm>>
      tpu.enqueue_dma source(%dma_start3A_35 : memref<20x2x128xi32, #tpu.memory_space<hbm>>) target(%arg6 : memref<20x2x128xi32, #tpu.memory_space<vmem>>) target_semaphore(%arg10 : memref<!tpu.dma_semaphore, #tpu.memory_space<semaphore_mem>>)
    } else {
    }
    %add3A_3 = arith.constant 32 : i32
    %add3A_4 = arith.addi %add3A, %add3A_3 : i32
    %lt3A_5 = arith.constant 125 : i32
    %lt3A_6 = arith.cmpi slt, %add3A_4, %lt3A_5 : i32
    %convert_element_type3A_7 = arith.extui %lt3A_6 : i1 to i32
    %cond3A_8 = arith.constant 0 : i32
    %cond3A_9 = arith.cmpi ne, %convert_element_type3A_7, %cond3A_8 : i32
    scf.if %cond3A_9 {
      %mul3A_29 = arith.constant 20 : i32
      %mul3A_30 = arith.muli %add3A_4, %mul3A_29 : i32
      %dma_start3A = arith.constant 0 : i32
      %dma_start3A_31 = arith.constant 0 : i32
      %dma_start3A_32 = tpu.memref_slice %arg3[%mul3A_30, %dma_start3A, %dma_start3A_31] : memref<2500x2x128xi32, #tpu.memory_space<hbm>> -> memref<20x2x128xi32, #tpu.memory_space<hbm>>
      %dma_start3A_33 = arith.constant 0 : i32
      %dma_start3A_34 = arith.constant 0 : i32
      %dma_start3A_35 = tpu.memref_slice %arg3[%mul3A_30, %dma_start3A_33, %dma_start3A_34] : memref<2500x2x128xi32, #tpu.memory_space<hbm>> -> memref<20x2x128xi32, #tpu.memory_space<hbm>>
      tpu.enqueue_dma source(%dma_start3A_35 : memref<20x2x128xi32, #tpu.memory_space<hbm>>) target(%arg7 : memref<20x2x128xi32, #tpu.memory_space<vmem>>) target_semaphore(%arg11 : memref<!tpu.dma_semaphore, #tpu.memory_space<semaphore_mem>>)
    } else {
    }
    "tpu.region"() ({
      %run_scoped3A = tpu.sem_alloc : memref<!tpu.dma_semaphore, #tpu.memory_space<semaphore_mem>>
      tpu.enqueue_dma source(%arg2 : memref<8x10240xf32, #tpu.memory_space<hbm>>) target(%arg5 : memref<8x10240xf32, #tpu.memory_space<vmem>>) target_semaphore(%run_scoped3A : memref<!tpu.dma_semaphore, #tpu.memory_space<semaphore_mem>>)
      tpu.wait_dma2 semaphore(%run_scoped3A : memref<!tpu.dma_semaphore, #tpu.memory_space<semaphore_mem>>) src(%arg2 : memref<8x10240xf32, #tpu.memory_space<hbm>>) dst(%arg5 : memref<8x10240xf32, #tpu.memory_space<vmem>>)
      tpu.yield
    }) : () -> ()
    %scan3A = arith.constant 0 : i32
    %scan3A_10 = arith.constant 0 : i32
    %scan3A_11 = arith.constant 2 : i32
    %scan3A_12 = arith.addi %scan3A_10, %scan3A_11 : i32
    %scan3A_13 = arith.constant 1 : i32
    scf.for %scan3A_29 = %scan3A_10 to %scan3A_12 step %scan3A_13  : i32 {
      %mul3A_30 = arith.constant 2 : i32
      %mul3A_31 = arith.muli %mul3A_30, %scan3A_29 : i32
      %add3A_32 = arith.constant 0 : i32
      %add3A_33 = arith.addi %mul3A_31, %add3A_32 : i32
      %mul3A_34 = arith.constant 32 : i32
      %mul3A_35 = arith.muli %add3A_33, %mul3A_34 : i32
      %add3A_36 = arith.addi %add3A, %mul3A_35 : i32
      %sub3A = arith.constant 64 : i32
      %sub3A_37 = arith.subi %add3A_36, %sub3A : i32
      %ge3A = arith.constant 2 : i32
      %ge3A_38 = arith.cmpi sge, %add3A_33, %ge3A : i32
      %lt3A_39 = arith.constant 125 : i32
      %lt3A_40 = arith.cmpi slt, %sub3A_37, %lt3A_39 : i32
      %and3A = arith.andi %ge3A_38, %lt3A_40 : i1
      %convert_element_type3A_41 = arith.extui %and3A : i1 to i32
      %cond3A_42 = arith.constant 0 : i32
      %cond3A_43 = arith.cmpi ne, %convert_element_type3A_41, %cond3A_42 : i32
      scf.if %cond3A_43 {
        %mul3A_85 = arith.constant 20 : i32
        %mul3A_86 = arith.muli %sub3A_37, %mul3A_85 : i32
        %dma_wait3A = arith.constant 0 : i32
        %dma_wait3A_87 = arith.constant 0 : i32
        %dma_wait3A_88 = arith.constant 0 : i32
        %dma_wait3A_89 = tpu.memref_slice %arg4[%dma_wait3A, %mul3A_86, %dma_wait3A_87, %dma_wait3A_88] : memref<2x2500x2x128xf32, #tpu.memory_space<hbm>> -> memref<2x20x2x128xf32, #tpu.memory_space<hbm>>
        %dma_wait3A_90 = arith.constant 0 : i32
        %dma_wait3A_91 = arith.constant 0 : i32
        %dma_wait3A_92 = arith.constant 0 : i32
        %dma_wait3A_93 = tpu.memref_slice %arg4[%dma_wait3A_90, %mul3A_86, %dma_wait3A_91, %dma_wait3A_92] : memref<2x2500x2x128xf32, #tpu.memory_space<hbm>> -> memref<2x20x2x128xf32, #tpu.memory_space<hbm>>
        tpu.wait_dma2 semaphore(%arg12 : memref<!tpu.dma_semaphore, #tpu.memory_space<semaphore_mem>>) src(%arg8 : memref<2x20x2x128xf32, #tpu.memory_space<vmem>>) dst(%dma_wait3A_93 : memref<2x20x2x128xf32, #tpu.memory_space<hbm>>)
      } else {
      }
      %lt3A_44 = arith.constant 125 : i32
      %lt3A_45 = arith.cmpi slt, %add3A_36, %lt3A_44 : i32
      %convert_element_type3A_46 = arith.extui %lt3A_45 : i1 to i32
      %cond3A_47 = arith.constant 0 : i32
      %cond3A_48 = arith.cmpi ne, %convert_element_type3A_46, %cond3A_47 : i32
      scf.if %cond3A_48 {
        %mul3A_85 = arith.constant 20 : i32
        %mul3A_86 = arith.muli %add3A_36, %mul3A_85 : i32
        %dma_wait3A = arith.constant 0 : i32
        %dma_wait3A_87 = arith.constant 0 : i32
        %dma_wait3A_88 = tpu.memref_slice %arg3[%mul3A_86, %dma_wait3A, %dma_wait3A_87] : memref<2500x2x128xi32, #tpu.memory_space<hbm>> -> memref<20x2x128xi32, #tpu.memory_space<hbm>>
        %dma_wait3A_89 = arith.constant 0 : i32
        %dma_wait3A_90 = arith.constant 0 : i32
        %dma_wait3A_91 = tpu.memref_slice %arg3[%mul3A_86, %dma_wait3A_89, %dma_wait3A_90] : memref<2500x2x128xi32, #tpu.memory_space<hbm>> -> memref<20x2x128xi32, #tpu.memory_space<hbm>>
        tpu.wait_dma2 semaphore(%arg10 : memref<!tpu.dma_semaphore, #tpu.memory_space<semaphore_mem>>) src(%dma_wait3A_91 : memref<20x2x128xi32, #tpu.memory_space<hbm>>) dst(%arg6 : memref<20x2x128xi32, #tpu.memory_space<vmem>>)
        %parallel_loop3A = arith.constant 0 : i32
        %parallel_loop3A_92 = arith.constant 160 : i32
        %parallel_loop3A_93 = arith.constant 1 : i32
        scf.for %parallel_loop3A_103 = %parallel_loop3A to %parallel_loop3A_92 step %parallel_loop3A_93  : i32 {
          %parallel_loop3A_104 = arith.constant 8 : i32
          %parallel_loop3A_105 = arith.divsi %parallel_loop3A_103, %parallel_loop3A_104 : i32
          %parallel_loop3A_106 = arith.constant 0 : i32
          %parallel_loop3A_107 = arith.cmpi sgt, %parallel_loop3A_103, %parallel_loop3A_106 : i32
          %parallel_loop3A_108 = arith.extui %parallel_loop3A_107 : i1 to i32
          %parallel_loop3A_109 = arith.constant 0 : i32
          %parallel_loop3A_110 = arith.cmpi slt, %parallel_loop3A_103, %parallel_loop3A_109 : i32
          %parallel_loop3A_111 = arith.extui %parallel_loop3A_110 : i1 to i32
          %parallel_loop3A_112 = arith.subi %parallel_loop3A_108, %parallel_loop3A_111 : i32
          %parallel_loop3A_113 = arith.constant 0 : i32
          %parallel_loop3A_114 = arith.cmpi sgt, %parallel_loop3A_104, %parallel_loop3A_113 : i32
          %parallel_loop3A_115 = arith.extui %parallel_loop3A_114 : i1 to i32
          %parallel_loop3A_116 = arith.constant 0 : i32
          %parallel_loop3A_117 = arith.cmpi slt, %parallel_loop3A_104, %parallel_loop3A_116 : i32
          %parallel_loop3A_118 = arith.extui %parallel_loop3A_117 : i1 to i32
          %parallel_loop3A_119 = arith.subi %parallel_loop3A_115, %parallel_loop3A_118 : i32
          %parallel_loop3A_120 = arith.cmpi ne, %parallel_loop3A_112, %parallel_loop3A_119 : i32
          %parallel_loop3A_121 = arith.remsi %parallel_loop3A_103, %parallel_loop3A_104 : i32
          %parallel_loop3A_122 = arith.constant 0 : i32
          %parallel_loop3A_123 = arith.cmpi ne, %parallel_loop3A_121, %parallel_loop3A_122 : i32
          %parallel_loop3A_124 = arith.andi %parallel_loop3A_120, %parallel_loop3A_123 : i1
          %parallel_loop3A_125 = arith.constant 1 : i32
          %parallel_loop3A_126 = arith.subi %parallel_loop3A_105, %parallel_loop3A_125 : i32
          %parallel_loop3A_127 = arith.select %parallel_loop3A_124, %parallel_loop3A_126, %parallel_loop3A_105 : i32
          %parallel_loop3A_128 = arith.constant 8 : i32
          %parallel_loop3A_129 = arith.constant 0 : i32
          %parallel_loop3A_130 = arith.cmpi eq, %parallel_loop3A_128, %parallel_loop3A_129 : i32
          %parallel_loop3A_131 = arith.constant 1 : i32
          %parallel_loop3A_132 = arith.select %parallel_loop3A_130, %parallel_loop3A_131, %parallel_loop3A_128 : i32
          %parallel_loop3A_133 = arith.remsi %parallel_loop3A_103, %parallel_loop3A_132 : i32
          %parallel_loop3A_134 = arith.constant 0 : i32
          %parallel_loop3A_135 = arith.cmpi ne, %parallel_loop3A_133, %parallel_loop3A_134 : i32
          %parallel_loop3A_136 = arith.constant 0 : i32
          %parallel_loop3A_137 = arith.cmpi slt, %parallel_loop3A_133, %parallel_loop3A_136 : i32
          %parallel_loop3A_138 = arith.constant 0 : i32
          %parallel_loop3A_139 = arith.cmpi slt, %parallel_loop3A_132, %parallel_loop3A_138 : i32
          %parallel_loop3A_140 = arith.xori %parallel_loop3A_137, %parallel_loop3A_139 : i1
          %parallel_loop3A_141 = arith.andi %parallel_loop3A_140, %parallel_loop3A_135 : i1
          %parallel_loop3A_142 = arith.addi %parallel_loop3A_133, %parallel_loop3A_132 : i32
          %parallel_loop3A_143 = arith.select %parallel_loop3A_141, %parallel_loop3A_142, %parallel_loop3A_133 : i32
          %parallel_loop3A_144 = arith.constant 16 : i32
          %parallel_loop3A_145 = arith.muli %parallel_loop3A_143, %parallel_loop3A_144 : i32
          %parallel_loop3A_146 = arith.constant 0 : i32
          %parallel_loop3A_147 = arith.index_cast %parallel_loop3A_127 : i32 to index
          %parallel_loop3A_148 = arith.index_cast %parallel_loop3A_146 : i32 to index
          %parallel_loop3A_149 = arith.index_cast %parallel_loop3A_145 : i32 to index
          %parallel_loop3A_150 = tpu.vector_load %arg6[%parallel_loop3A_147, %parallel_loop3A_148, %parallel_loop3A_149] {strides = array<i32>} : memref<20x2x128xi32, #tpu.memory_space<vmem>>, vector<16xi32>,
          %parallel_loop3A_151 = arith.constant 1 : i32
          %parallel_loop3A_152 = arith.index_cast %parallel_loop3A_127 : i32 to index
          %parallel_loop3A_153 = arith.index_cast %parallel_loop3A_151 : i32 to index
          %parallel_loop3A_154 = arith.index_cast %parallel_loop3A_145 : i32 to index
          %parallel_loop3A_155 = tpu.vector_load %arg6[%parallel_loop3A_152, %parallel_loop3A_153, %parallel_loop3A_154] {strides = array<i32>} : memref<20x2x128xi32, #tpu.memory_space<vmem>>, vector<16xi32>,
          %parallel_loop3A_156 = arith.constant 0 : i32
          %parallel_loop3A_157 = vector.broadcast %parallel_loop3A_156 : i32 to vector<16xi32>
          %parallel_loop3A_158 = tpu.vector_load_idx %arg5[%parallel_loop3A_157, %parallel_loop3A_150] : memref<8x10240xf32, #tpu.memory_space<vmem>>[vector<16xi32>, vector<16xi32>], vector<16xf32>,
          %parallel_loop3A_159 = arith.constant 4 : i32
          %parallel_loop3A_160 = vector.broadcast %parallel_loop3A_159 : i32 to vector<16xi32>
          %parallel_loop3A_161 = tpu.vector_load_idx %arg5[%parallel_loop3A_160, %parallel_loop3A_155] : memref<8x10240xf32, #tpu.memory_space<vmem>>[vector<16xi32>, vector<16xi32>], vector<16xf32>,
          %parallel_loop3A_162 = arith.addf %parallel_loop3A_158, %parallel_loop3A_161 : vector<16xf32>
          %parallel_loop3A_163 = math.exp %parallel_loop3A_162 : vector<16xf32>
          %parallel_loop3A_164 = arith.constant 5.000000e-01 : f32
          %parallel_loop3A_165 = vector.broadcast %parallel_loop3A_164 : f32 to vector<16xf32>
          %parallel_loop3A_166 = arith.addf %parallel_loop3A_163, %parallel_loop3A_165 : vector<16xf32>
          %parallel_loop3A_167 = arith.constant 1.000000e+00 : f32
          %parallel_loop3A_168 = vector.broadcast %parallel_loop3A_167 : f32 to vector<16xf32>
          %parallel_loop3A_169 = arith.divf %parallel_loop3A_168, %parallel_loop3A_166 : vector<16xf32>
          %parallel_loop3A_170 = arith.constant 1.000000e+00 : f32
          %parallel_loop3A_171 = vector.broadcast %parallel_loop3A_170 : f32 to vector<16xf32>
          %parallel_loop3A_172 = arith.subf %parallel_loop3A_171, %parallel_loop3A_169 : vector<16xf32>
          %parallel_loop3A_173 = arith.constant 0 : i32
          %parallel_loop3A_174 = arith.constant 0 : i32
          %parallel_loop3A_175 = arith.index_cast %parallel_loop3A_173 : i32 to index
          %parallel_loop3A_176 = arith.index_cast %parallel_loop3A_127 : i32 to index
          %parallel_loop3A_177 = arith.index_cast %parallel_loop3A_174 : i32 to index
          %parallel_loop3A_178 = arith.index_cast %parallel_loop3A_145 : i32 to index
          %parallel_loop3A_179 = tpu.vector_load %arg8[%parallel_loop3A_175, %parallel_loop3A_176, %parallel_loop3A_177, %parallel_loop3A_178] {strides = array<i32>} : memref<2x20x2x128xf32, #tpu.memory_space<vmem>>, vector<16xf32>,
          tpu.vector_store %arg8[%parallel_loop3A_175, %parallel_loop3A_176, %parallel_loop3A_177, %parallel_loop3A_178], %parallel_loop3A_172 {strides = array<i32>} : memref<2x20x2x128xf32, #tpu.memory_space<vmem>>, vector<16xf32>,
          %parallel_loop3A_180 = arith.constant 1 : i32
          %parallel_loop3A_181 = vector.broadcast %parallel_loop3A_180 : i32 to vector<16xi32>
          %parallel_loop3A_182 = tpu.vector_load_idx %arg5[%parallel_loop3A_181, %parallel_loop3A_150] : memref<8x10240xf32, #tpu.memory_space<vmem>>[vector<16xi32>, vector<16xi32>], vector<16xf32>,
          %parallel_loop3A_183 = arith.constant 5 : i32
          %parallel_loop3A_184 = vector.broadcast %parallel_loop3A_183 : i32 to vector<16xi32>
          %parallel_loop3A_185 = tpu.vector_load_idx %arg5[%parallel_loop3A_184, %parallel_loop3A_155] : memref<8x10240xf32, #tpu.memory_space<vmem>>[vector<16xi32>, vector<16xi32>], vector<16xf32>,
          %parallel_loop3A_186 = arith.addf %parallel_loop3A_182, %parallel_loop3A_185 : vector<16xf32>
          %parallel_loop3A_187 = math.exp %parallel_loop3A_186 : vector<16xf32>
          %parallel_loop3A_188 = arith.constant 5.000000e-01 : f32
          %parallel_loop3A_189 = vector.broadcast %parallel_loop3A_188 : f32 to vector<16xf32>
          %parallel_loop3A_190 = arith.addf %parallel_loop3A_187, %parallel_loop3A_189 : vector<16xf32>
          %parallel_loop3A_191 = arith.constant 1.000000e+00 : f32
          %parallel_loop3A_192 = vector.broadcast %parallel_loop3A_191 : f32 to vector<16xf32>
          %parallel_loop3A_193 = arith.divf %parallel_loop3A_192, %parallel_loop3A_190 : vector<16xf32>
          %parallel_loop3A_194 = arith.constant 1.000000e+00 : f32
          %parallel_loop3A_195 = vector.broadcast %parallel_loop3A_194 : f32 to vector<16xf32>
          %parallel_loop3A_196 = arith.subf %parallel_loop3A_195, %parallel_loop3A_193 : vector<16xf32>
          %parallel_loop3A_197 = arith.constant 0 : i32
          %parallel_loop3A_198 = arith.constant 1 : i32
          %parallel_loop3A_199 = arith.index_cast %parallel_loop3A_197 : i32 to index
          %parallel_loop3A_200 = arith.index_cast %parallel_loop3A_127 : i32 to index
          %parallel_loop3A_201 = arith.index_cast %parallel_loop3A_198 : i32 to index
          %parallel_loop3A_202 = arith.index_cast %parallel_loop3A_145 : i32 to index
          %parallel_loop3A_203 = tpu.vector_load %arg8[%parallel_loop3A_199, %parallel_loop3A_200, %parallel_loop3A_201, %parallel_loop3A_202] {strides = array<i32>} : memref<2x20x2x128xf32, #tpu.memory_space<vmem>>, vector<16xf32>,
          tpu.vector_store %arg8[%parallel_loop3A_199, %parallel_loop3A_200, %parallel_loop3A_201, %parallel_loop3A_202], %parallel_loop3A_196 {strides = array<i32>} : memref<2x20x2x128xf32, #tpu.memory_space<vmem>>, vector<16xf32>,
          %parallel_loop3A_204 = arith.constant 2 : i32
          %parallel_loop3A_205 = vector.broadcast %parallel_loop3A_204 : i32 to vector<16xi32>
          %parallel_loop3A_206 = tpu.vector_load_idx %arg5[%parallel_loop3A_205, %parallel_loop3A_150] : memref<8x10240xf32, #tpu.memory_space<vmem>>[vector<16xi32>, vector<16xi32>], vector<16xf32>,
          %parallel_loop3A_207 = arith.constant 6 : i32
          %parallel_loop3A_208 = vector.broadcast %parallel_loop3A_207 : i32 to vector<16xi32>
          %parallel_loop3A_209 = tpu.vector_load_idx %arg5[%parallel_loop3A_208, %parallel_loop3A_155] : memref<8x10240xf32, #tpu.memory_space<vmem>>[vector<16xi32>, vector<16xi32>], vector<16xf32>,
          %parallel_loop3A_210 = arith.addf %parallel_loop3A_206, %parallel_loop3A_209 : vector<16xf32>
          %parallel_loop3A_211 = math.exp %parallel_loop3A_210 : vector<16xf32>
          %parallel_loop3A_212 = arith.constant 5.000000e-01 : f32
          %parallel_loop3A_213 = vector.broadcast %parallel_loop3A_212 : f32 to vector<16xf32>
          %parallel_loop3A_214 = arith.addf %parallel_loop3A_211, %parallel_loop3A_213 : vector<16xf32>
          %parallel_loop3A_215 = arith.constant 1.000000e+00 : f32
          %parallel_loop3A_216 = vector.broadcast %parallel_loop3A_215 : f32 to vector<16xf32>
          %parallel_loop3A_217 = arith.divf %parallel_loop3A_216, %parallel_loop3A_214 : vector<16xf32>
          %parallel_loop3A_218 = arith.constant 1.000000e+00 : f32
          %parallel_loop3A_219 = vector.broadcast %parallel_loop3A_218 : f32 to vector<16xf32>
          %parallel_loop3A_220 = arith.subf %parallel_loop3A_219, %parallel_loop3A_217 : vector<16xf32>
          %parallel_loop3A_221 = arith.constant 1 : i32
          %parallel_loop3A_222 = arith.constant 0 : i32
          %parallel_loop3A_223 = arith.index_cast %parallel_loop3A_221 : i32 to index
          %parallel_loop3A_224 = arith.index_cast %parallel_loop3A_127 : i32 to index
          %parallel_loop3A_225 = arith.index_cast %parallel_loop3A_222 : i32 to index
          %parallel_loop3A_226 = arith.index_cast %parallel_loop3A_145 : i32 to index
          %parallel_loop3A_227 = tpu.vector_load %arg8[%parallel_loop3A_223, %parallel_loop3A_224, %parallel_loop3A_225, %parallel_loop3A_226] {strides = array<i32>} : memref<2x20x2x128xf32, #tpu.memory_space<vmem>>, vector<16xf32>,
          tpu.vector_store %arg8[%parallel_loop3A_223, %parallel_loop3A_224, %parallel_loop3A_225, %parallel_loop3A_226], %parallel_loop3A_220 {strides = array<i32>} : memref<2x20x2x128xf32, #tpu.memory_space<vmem>>, vector<16xf32>,
          %parallel_loop3A_228 = arith.constant 3 : i32
          %parallel_loop3A_229 = vector.broadcast %parallel_loop3A_228 : i32 to vector<16xi32>
          %parallel_loop3A_230 = tpu.vector_load_idx %arg5[%parallel_loop3A_229, %parallel_loop3A_150] : memref<8x10240xf32, #tpu.memory_space<vmem>>[vector<16xi32>, vector<16xi32>], vector<16xf32>,
          %parallel_loop3A_231 = arith.constant 7 : i32
          %parallel_loop3A_232 = vector.broadcast %parallel_loop3A_231 : i32 to vector<16xi32>
          %parallel_loop3A_233 = tpu.vector_load_idx %arg5[%parallel_loop3A_232, %parallel_loop3A_155] : memref<8x10240xf32, #tpu.memory_space<vmem>>[vector<16xi32>, vector<16xi32>], vector<16xf32>,
          %parallel_loop3A_234 = arith.addf %parallel_loop3A_230, %parallel_loop3A_233 : vector<16xf32>
          %parallel_loop3A_235 = math.exp %parallel_loop3A_234 : vector<16xf32>
          %parallel_loop3A_236 = arith.constant 5.000000e-01 : f32
          %parallel_loop3A_237 = vector.broadcast %parallel_loop3A_236 : f32 to vector<16xf32>
          %parallel_loop3A_238 = arith.addf %parallel_loop3A_235, %parallel_loop3A_237 : vector<16xf32>
          %parallel_loop3A_239 = arith.constant 1.000000e+00 : f32
          %parallel_loop3A_240 = vector.broadcast %parallel_loop3A_239 : f32 to vector<16xf32>
          %parallel_loop3A_241 = arith.divf %parallel_loop3A_240, %parallel_loop3A_238 : vector<16xf32>
          %parallel_loop3A_242 = arith.constant 1.000000e+00 : f32
          %parallel_loop3A_243 = vector.broadcast %parallel_loop3A_242 : f32 to vector<16xf32>
          %parallel_loop3A_244 = arith.subf %parallel_loop3A_243, %parallel_loop3A_241 : vector<16xf32>
          %parallel_loop3A_245 = arith.constant 1 : i32
          %parallel_loop3A_246 = arith.constant 1 : i32
          %parallel_loop3A_247 = arith.index_cast %parallel_loop3A_245 : i32 to index
          %parallel_loop3A_248 = arith.index_cast %parallel_loop3A_127 : i32 to index
          %parallel_loop3A_249 = arith.index_cast %parallel_loop3A_246 : i32 to index
          %parallel_loop3A_250 = arith.index_cast %parallel_loop3A_145 : i32 to index
          %parallel_loop3A_251 = tpu.vector_load %arg8[%parallel_loop3A_247, %parallel_loop3A_248, %parallel_loop3A_249, %parallel_loop3A_250] {strides = array<i32>} : memref<2x20x2x128xf32, #tpu.memory_space<vmem>>, vector<16xf32>,
          tpu.vector_store %arg8[%parallel_loop3A_247, %parallel_loop3A_248, %parallel_loop3A_249, %parallel_loop3A_250], %parallel_loop3A_244 {strides = array<i32>} : memref<2x20x2x128xf32, #tpu.memory_space<vmem>>, vector<16xf32>,
        } {sc.loop_unroll_factor = 4 : i64, sc.parallel_access}
        %mul3A_94 = arith.constant 20 : i32
        %mul3A_95 = arith.muli %add3A_36, %mul3A_94 : i32
        %dma_start3A = arith.constant 0 : i32
        %dma_start3A_96 = arith.constant 0 : i32
        %dma_start3A_97 = arith.constant 0 : i32
        %dma_start3A_98 = tpu.memref_slice %arg4[%dma_start3A, %mul3A_95, %dma_start3A_96, %dma_start3A_97] : memref<2x2500x2x128xf32, #tpu.memory_space<hbm>> -> memref<2x20x2x128xf32, #tpu.memory_space<hbm>>
        %dma_start3A_99 = arith.constant 0 : i32
        %dma_start3A_100 = arith.constant 0 : i32
        %dma_start3A_101 = arith.constant 0 : i32
        %dma_start3A_102 = tpu.memref_slice %arg4[%dma_start3A_99, %mul3A_95, %dma_start3A_100, %dma_start3A_101] : memref<2x2500x2x128xf32, #tpu.memory_space<hbm>> -> memref<2x20x2x128xf32, #tpu.memory_space<hbm>>
        tpu.enqueue_dma source(%arg8 : memref<2x20x2x128xf32, #tpu.memory_space<vmem>>) target(%dma_start3A_102 : memref<2x20x2x128xf32, #tpu.memory_space<hbm>>) target_semaphore(%arg12 : memref<!tpu.dma_semaphore, #tpu.memory_space<semaphore_mem>>)
      } else {
      }
      %add3A_49 = arith.constant 64 : i32
      %add3A_50 = arith.addi %add3A_36, %add3A_49 : i32
      %lt3A_51 = arith.constant 125 : i32
      %lt3A_52 = arith.cmpi slt, %add3A_50, %lt3A_51 : i32
      %convert_element_type3A_53 = arith.extui %lt3A_52 : i1 to i32
      %cond3A_54 = arith.constant 0 : i32
      %cond3A_55 = arith.cmpi ne, %convert_element_type3A_53, %cond3A_54 : i32
      scf.if %cond3A_55 {
        %mul3A_85 = arith.constant 20 : i32
        %mul3A_86 = arith.muli %add3A_50, %mul3A_85 : i32
        %dma_start3A = arith.constant 0 : i32
        %dma_start3A_87 = arith.constant 0 : i32
        %dma_start3A_88 = tpu.memref_slice %arg3[%mul3A_86, %dma_start3A, %dma_start3A_87] : memref<2500x2x128xi32, #tpu.memory_space<hbm>> -> memref<20x2x128xi32, #tpu.memory_space<hbm>>
        %dma_start3A_89 = arith.constant 0 : i32
        %dma_start3A_90 = arith.constant 0 : i32
        %dma_start3A_91 = tpu.memref_slice %arg3[%mul3A_86, %dma_start3A_89, %dma_start3A_90] : memref<2500x2x128xi32, #tpu.memory_space<hbm>> -> memref<20x2x128xi32, #tpu.memory_space<hbm>>
        tpu.enqueue_dma source(%dma_start3A_91 : memref<20x2x128xi32, #tpu.memory_space<hbm>>) target(%arg6 : memref<20x2x128xi32, #tpu.memory_space<vmem>>) target_semaphore(%arg10 : memref<!tpu.dma_semaphore, #tpu.memory_space<semaphore_mem>>)
      } else {
      }
      %mul3A_56 = arith.constant 2 : i32
      %mul3A_57 = arith.muli %mul3A_56, %scan3A_29 : i32
      %add3A_58 = arith.constant 1 : i32
      %add3A_59 = arith.addi %mul3A_57, %add3A_58 : i32
      %mul3A_60 = arith.constant 32 : i32
      %mul3A_61 = arith.muli %add3A_59, %mul3A_60 : i32
      %add3A_62 = arith.addi %add3A, %mul3A_61 : i32
      %sub3A_63 = arith.constant 64 : i32
      %sub3A_64 = arith.subi %add3A_62, %sub3A_63 : i32
      %ge3A_65 = arith.constant 2 : i32
      %ge3A_66 = arith.cmpi sge, %add3A_59, %ge3A_65 : i32
      %lt3A_67 = arith.constant 125 : i32
      %lt3A_68 = arith.cmpi slt, %sub3A_64, %lt3A_67 : i32
      %and3A_69 = arith.andi %ge3A_66, %lt3A_68 : i1
      %convert_element_type3A_70 = arith.extui %and3A_69 : i1 to i32
      %cond3A_71 = arith.constant 0 : i32
      %cond3A_72 = arith.cmpi ne, %convert_element_type3A_70, %cond3A_71 : i32
      scf.if %cond3A_72 {
        %mul3A_85 = arith.constant 20 : i32
        %mul3A_86 = arith.muli %sub3A_64, %mul3A_85 : i32
        %dma_wait3A = arith.constant 0 : i32
        %dma_wait3A_87 = arith.constant 0 : i32
        %dma_wait3A_88 = arith.constant 0 : i32
        %dma_wait3A_89 = tpu.memref_slice %arg4[%dma_wait3A, %mul3A_86, %dma_wait3A_87, %dma_wait3A_88] : memref<2x2500x2x128xf32, #tpu.memory_space<hbm>> -> memref<2x20x2x128xf32, #tpu.memory_space<hbm>>
        %dma_wait3A_90 = arith.constant 0 : i32
        %dma_wait3A_91 = arith.constant 0 : i32
        %dma_wait3A_92 = arith.constant 0 : i32
        %dma_wait3A_93 = tpu.memref_slice %arg4[%dma_wait3A_90, %mul3A_86, %dma_wait3A_91, %dma_wait3A_92] : memref<2x2500x2x128xf32, #tpu.memory_space<hbm>> -> memref<2x20x2x128xf32, #tpu.memory_space<hbm>>
        tpu.wait_dma2 semaphore(%arg13 : memref<!tpu.dma_semaphore, #tpu.memory_space<semaphore_mem>>) src(%arg9 : memref<2x20x2x128xf32, #tpu.memory_space<vmem>>) dst(%dma_wait3A_93 : memref<2x20x2x128xf32, #tpu.memory_space<hbm>>)
      } else {
      }
      %lt3A_73 = arith.constant 125 : i32
      %lt3A_74 = arith.cmpi slt, %add3A_62, %lt3A_73 : i32
      %convert_element_type3A_75 = arith.extui %lt3A_74 : i1 to i32
      %cond3A_76 = arith.constant 0 : i32
      %cond3A_77 = arith.cmpi ne, %convert_element_type3A_75, %cond3A_76 : i32
      scf.if %cond3A_77 {
        %mul3A_85 = arith.constant 20 : i32
        %mul3A_86 = arith.muli %add3A_62, %mul3A_85 : i32
        %dma_wait3A = arith.constant 0 : i32
        %dma_wait3A_87 = arith.constant 0 : i32
        %dma_wait3A_88 = tpu.memref_slice %arg3[%mul3A_86, %dma_wait3A, %dma_wait3A_87] : memref<2500x2x128xi32, #tpu.memory_space<hbm>> -> memref<20x2x128xi32, #tpu.memory_space<hbm>>
        %dma_wait3A_89 = arith.constant 0 : i32
        %dma_wait3A_90 = arith.constant 0 : i32
        %dma_wait3A_91 = tpu.memref_slice %arg3[%mul3A_86, %dma_wait3A_89, %dma_wait3A_90] : memref<2500x2x128xi32, #tpu.memory_space<hbm>> -> memref<20x2x128xi32, #tpu.memory_space<hbm>>
        tpu.wait_dma2 semaphore(%arg11 : memref<!tpu.dma_semaphore, #tpu.memory_space<semaphore_mem>>) src(%dma_wait3A_91 : memref<20x2x128xi32, #tpu.memory_space<hbm>>) dst(%arg7 : memref<20x2x128xi32, #tpu.memory_space<vmem>>)
        %parallel_loop3A = arith.constant 0 : i32
        %parallel_loop3A_92 = arith.constant 160 : i32
        %parallel_loop3A_93 = arith.constant 1 : i32
        scf.for %parallel_loop3A_103 = %parallel_loop3A to %parallel_loop3A_92 step %parallel_loop3A_93  : i32 {
          %parallel_loop3A_104 = arith.constant 8 : i32
          %parallel_loop3A_105 = arith.divsi %parallel_loop3A_103, %parallel_loop3A_104 : i32
          %parallel_loop3A_106 = arith.constant 0 : i32
          %parallel_loop3A_107 = arith.cmpi sgt, %parallel_loop3A_103, %parallel_loop3A_106 : i32
          %parallel_loop3A_108 = arith.extui %parallel_loop3A_107 : i1 to i32
          %parallel_loop3A_109 = arith.constant 0 : i32
          %parallel_loop3A_110 = arith.cmpi slt, %parallel_loop3A_103, %parallel_loop3A_109 : i32
          %parallel_loop3A_111 = arith.extui %parallel_loop3A_110 : i1 to i32
          %parallel_loop3A_112 = arith.subi %parallel_loop3A_108, %parallel_loop3A_111 : i32
          %parallel_loop3A_113 = arith.constant 0 : i32
          %parallel_loop3A_114 = arith.cmpi sgt, %parallel_loop3A_104, %parallel_loop3A_113 : i32
          %parallel_loop3A_115 = arith.extui %parallel_loop3A_114 : i1 to i32
          %parallel_loop3A_116 = arith.constant 0 : i32
          %parallel_loop3A_117 = arith.cmpi slt, %parallel_loop3A_104, %parallel_loop3A_116 : i32
          %parallel_loop3A_118 = arith.extui %parallel_loop3A_117 : i1 to i32
          %parallel_loop3A_119 = arith.subi %parallel_loop3A_115, %parallel_loop3A_118 : i32
          %parallel_loop3A_120 = arith.cmpi ne, %parallel_loop3A_112, %parallel_loop3A_119 : i32
          %parallel_loop3A_121 = arith.remsi %parallel_loop3A_103, %parallel_loop3A_104 : i32
          %parallel_loop3A_122 = arith.constant 0 : i32
          %parallel_loop3A_123 = arith.cmpi ne, %parallel_loop3A_121, %parallel_loop3A_122 : i32
          %parallel_loop3A_124 = arith.andi %parallel_loop3A_120, %parallel_loop3A_123 : i1
          %parallel_loop3A_125 = arith.constant 1 : i32
          %parallel_loop3A_126 = arith.subi %parallel_loop3A_105, %parallel_loop3A_125 : i32
          %parallel_loop3A_127 = arith.select %parallel_loop3A_124, %parallel_loop3A_126, %parallel_loop3A_105 : i32
          %parallel_loop3A_128 = arith.constant 8 : i32
          %parallel_loop3A_129 = arith.constant 0 : i32
          %parallel_loop3A_130 = arith.cmpi eq, %parallel_loop3A_128, %parallel_loop3A_129 : i32
          %parallel_loop3A_131 = arith.constant 1 : i32
          %parallel_loop3A_132 = arith.select %parallel_loop3A_130, %parallel_loop3A_131, %parallel_loop3A_128 : i32
          %parallel_loop3A_133 = arith.remsi %parallel_loop3A_103, %parallel_loop3A_132 : i32
          %parallel_loop3A_134 = arith.constant 0 : i32
          %parallel_loop3A_135 = arith.cmpi ne, %parallel_loop3A_133, %parallel_loop3A_134 : i32
          %parallel_loop3A_136 = arith.constant 0 : i32
          %parallel_loop3A_137 = arith.cmpi slt, %parallel_loop3A_133, %parallel_loop3A_136 : i32
          %parallel_loop3A_138 = arith.constant 0 : i32
          %parallel_loop3A_139 = arith.cmpi slt, %parallel_loop3A_132, %parallel_loop3A_138 : i32
          %parallel_loop3A_140 = arith.xori %parallel_loop3A_137, %parallel_loop3A_139 : i1
          %parallel_loop3A_141 = arith.andi %parallel_loop3A_140, %parallel_loop3A_135 : i1
          %parallel_loop3A_142 = arith.addi %parallel_loop3A_133, %parallel_loop3A_132 : i32
          %parallel_loop3A_143 = arith.select %parallel_loop3A_141, %parallel_loop3A_142, %parallel_loop3A_133 : i32
          %parallel_loop3A_144 = arith.constant 16 : i32
          %parallel_loop3A_145 = arith.muli %parallel_loop3A_143, %parallel_loop3A_144 : i32
          %parallel_loop3A_146 = arith.constant 0 : i32
          %parallel_loop3A_147 = arith.index_cast %parallel_loop3A_127 : i32 to index
          %parallel_loop3A_148 = arith.index_cast %parallel_loop3A_146 : i32 to index
          %parallel_loop3A_149 = arith.index_cast %parallel_loop3A_145 : i32 to index
          %parallel_loop3A_150 = tpu.vector_load %arg7[%parallel_loop3A_147, %parallel_loop3A_148, %parallel_loop3A_149] {strides = array<i32>} : memref<20x2x128xi32, #tpu.memory_space<vmem>>, vector<16xi32>,
          %parallel_loop3A_151 = arith.constant 1 : i32
          %parallel_loop3A_152 = arith.index_cast %parallel_loop3A_127 : i32 to index
          %parallel_loop3A_153 = arith.index_cast %parallel_loop3A_151 : i32 to index
          %parallel_loop3A_154 = arith.index_cast %parallel_loop3A_145 : i32 to index
          %parallel_loop3A_155 = tpu.vector_load %arg7[%parallel_loop3A_152, %parallel_loop3A_153, %parallel_loop3A_154] {strides = array<i32>} : memref<20x2x128xi32, #tpu.memory_space<vmem>>, vector<16xi32>,
          %parallel_loop3A_156 = arith.constant 0 : i32
          %parallel_loop3A_157 = vector.broadcast %parallel_loop3A_156 : i32 to vector<16xi32>
          %parallel_loop3A_158 = tpu.vector_load_idx %arg5[%parallel_loop3A_157, %parallel_loop3A_150] : memref<8x10240xf32, #tpu.memory_space<vmem>>[vector<16xi32>, vector<16xi32>], vector<16xf32>,
          %parallel_loop3A_159 = arith.constant 4 : i32
          %parallel_loop3A_160 = vector.broadcast %parallel_loop3A_159 : i32 to vector<16xi32>
          %parallel_loop3A_161 = tpu.vector_load_idx %arg5[%parallel_loop3A_160, %parallel_loop3A_155] : memref<8x10240xf32, #tpu.memory_space<vmem>>[vector<16xi32>, vector<16xi32>], vector<16xf32>,
          %parallel_loop3A_162 = arith.addf %parallel_loop3A_158, %parallel_loop3A_161 : vector<16xf32>
          %parallel_loop3A_163 = math.exp %parallel_loop3A_162 : vector<16xf32>
          %parallel_loop3A_164 = arith.constant 5.000000e-01 : f32
          %parallel_loop3A_165 = vector.broadcast %parallel_loop3A_164 : f32 to vector<16xf32>
          %parallel_loop3A_166 = arith.addf %parallel_loop3A_163, %parallel_loop3A_165 : vector<16xf32>
          %parallel_loop3A_167 = arith.constant 1.000000e+00 : f32
          %parallel_loop3A_168 = vector.broadcast %parallel_loop3A_167 : f32 to vector<16xf32>
          %parallel_loop3A_169 = arith.divf %parallel_loop3A_168, %parallel_loop3A_166 : vector<16xf32>
          %parallel_loop3A_170 = arith.constant 1.000000e+00 : f32
          %parallel_loop3A_171 = vector.broadcast %parallel_loop3A_170 : f32 to vector<16xf32>
          %parallel_loop3A_172 = arith.subf %parallel_loop3A_171, %parallel_loop3A_169 : vector<16xf32>
          %parallel_loop3A_173 = arith.constant 0 : i32
          %parallel_loop3A_174 = arith.constant 0 : i32
          %parallel_loop3A_175 = arith.index_cast %parallel_loop3A_173 : i32 to index
          %parallel_loop3A_176 = arith.index_cast %parallel_loop3A_127 : i32 to index
          %parallel_loop3A_177 = arith.index_cast %parallel_loop3A_174 : i32 to index
          %parallel_loop3A_178 = arith.index_cast %parallel_loop3A_145 : i32 to index
          %parallel_loop3A_179 = tpu.vector_load %arg9[%parallel_loop3A_175, %parallel_loop3A_176, %parallel_loop3A_177, %parallel_loop3A_178] {strides = array<i32>} : memref<2x20x2x128xf32, #tpu.memory_space<vmem>>, vector<16xf32>,
          tpu.vector_store %arg9[%parallel_loop3A_175, %parallel_loop3A_176, %parallel_loop3A_177, %parallel_loop3A_178], %parallel_loop3A_172 {strides = array<i32>} : memref<2x20x2x128xf32, #tpu.memory_space<vmem>>, vector<16xf32>,
          %parallel_loop3A_180 = arith.constant 1 : i32
          %parallel_loop3A_181 = vector.broadcast %parallel_loop3A_180 : i32 to vector<16xi32>
          %parallel_loop3A_182 = tpu.vector_load_idx %arg5[%parallel_loop3A_181, %parallel_loop3A_150] : memref<8x10240xf32, #tpu.memory_space<vmem>>[vector<16xi32>, vector<16xi32>], vector<16xf32>,
          %parallel_loop3A_183 = arith.constant 5 : i32
          %parallel_loop3A_184 = vector.broadcast %parallel_loop3A_183 : i32 to vector<16xi32>
          %parallel_loop3A_185 = tpu.vector_load_idx %arg5[%parallel_loop3A_184, %parallel_loop3A_155] : memref<8x10240xf32, #tpu.memory_space<vmem>>[vector<16xi32>, vector<16xi32>], vector<16xf32>,
          %parallel_loop3A_186 = arith.addf %parallel_loop3A_182, %parallel_loop3A_185 : vector<16xf32>
          %parallel_loop3A_187 = math.exp %parallel_loop3A_186 : vector<16xf32>
          %parallel_loop3A_188 = arith.constant 5.000000e-01 : f32
          %parallel_loop3A_189 = vector.broadcast %parallel_loop3A_188 : f32 to vector<16xf32>
          %parallel_loop3A_190 = arith.addf %parallel_loop3A_187, %parallel_loop3A_189 : vector<16xf32>
          %parallel_loop3A_191 = arith.constant 1.000000e+00 : f32
          %parallel_loop3A_192 = vector.broadcast %parallel_loop3A_191 : f32 to vector<16xf32>
          %parallel_loop3A_193 = arith.divf %parallel_loop3A_192, %parallel_loop3A_190 : vector<16xf32>
          %parallel_loop3A_194 = arith.constant 1.000000e+00 : f32
          %parallel_loop3A_195 = vector.broadcast %parallel_loop3A_194 : f32 to vector<16xf32>
          %parallel_loop3A_196 = arith.subf %parallel_loop3A_195, %parallel_loop3A_193 : vector<16xf32>
          %parallel_loop3A_197 = arith.constant 0 : i32
          %parallel_loop3A_198 = arith.constant 1 : i32
          %parallel_loop3A_199 = arith.index_cast %parallel_loop3A_197 : i32 to index
          %parallel_loop3A_200 = arith.index_cast %parallel_loop3A_127 : i32 to index
          %parallel_loop3A_201 = arith.index_cast %parallel_loop3A_198 : i32 to index
          %parallel_loop3A_202 = arith.index_cast %parallel_loop3A_145 : i32 to index
          %parallel_loop3A_203 = tpu.vector_load %arg9[%parallel_loop3A_199, %parallel_loop3A_200, %parallel_loop3A_201, %parallel_loop3A_202] {strides = array<i32>} : memref<2x20x2x128xf32, #tpu.memory_space<vmem>>, vector<16xf32>,
          tpu.vector_store %arg9[%parallel_loop3A_199, %parallel_loop3A_200, %parallel_loop3A_201, %parallel_loop3A_202], %parallel_loop3A_196 {strides = array<i32>} : memref<2x20x2x128xf32, #tpu.memory_space<vmem>>, vector<16xf32>,
          %parallel_loop3A_204 = arith.constant 2 : i32
          %parallel_loop3A_205 = vector.broadcast %parallel_loop3A_204 : i32 to vector<16xi32>
          %parallel_loop3A_206 = tpu.vector_load_idx %arg5[%parallel_loop3A_205, %parallel_loop3A_150] : memref<8x10240xf32, #tpu.memory_space<vmem>>[vector<16xi32>, vector<16xi32>], vector<16xf32>,
          %parallel_loop3A_207 = arith.constant 6 : i32
          %parallel_loop3A_208 = vector.broadcast %parallel_loop3A_207 : i32 to vector<16xi32>
          %parallel_loop3A_209 = tpu.vector_load_idx %arg5[%parallel_loop3A_208, %parallel_loop3A_155] : memref<8x10240xf32, #tpu.memory_space<vmem>>[vector<16xi32>, vector<16xi32>], vector<16xf32>,
          %parallel_loop3A_210 = arith.addf %parallel_loop3A_206, %parallel_loop3A_209 : vector<16xf32>
          %parallel_loop3A_211 = math.exp %parallel_loop3A_210 : vector<16xf32>
          %parallel_loop3A_212 = arith.constant 5.000000e-01 : f32
          %parallel_loop3A_213 = vector.broadcast %parallel_loop3A_212 : f32 to vector<16xf32>
          %parallel_loop3A_214 = arith.addf %parallel_loop3A_211, %parallel_loop3A_213 : vector<16xf32>
          %parallel_loop3A_215 = arith.constant 1.000000e+00 : f32
          %parallel_loop3A_216 = vector.broadcast %parallel_loop3A_215 : f32 to vector<16xf32>
          %parallel_loop3A_217 = arith.divf %parallel_loop3A_216, %parallel_loop3A_214 : vector<16xf32>
          %parallel_loop3A_218 = arith.constant 1.000000e+00 : f32
          %parallel_loop3A_219 = vector.broadcast %parallel_loop3A_218 : f32 to vector<16xf32>
          %parallel_loop3A_220 = arith.subf %parallel_loop3A_219, %parallel_loop3A_217 : vector<16xf32>
          %parallel_loop3A_221 = arith.constant 1 : i32
          %parallel_loop3A_222 = arith.constant 0 : i32
          %parallel_loop3A_223 = arith.index_cast %parallel_loop3A_221 : i32 to index
          %parallel_loop3A_224 = arith.index_cast %parallel_loop3A_127 : i32 to index
          %parallel_loop3A_225 = arith.index_cast %parallel_loop3A_222 : i32 to index
          %parallel_loop3A_226 = arith.index_cast %parallel_loop3A_145 : i32 to index
          %parallel_loop3A_227 = tpu.vector_load %arg9[%parallel_loop3A_223, %parallel_loop3A_224, %parallel_loop3A_225, %parallel_loop3A_226] {strides = array<i32>} : memref<2x20x2x128xf32, #tpu.memory_space<vmem>>, vector<16xf32>,
          tpu.vector_store %arg9[%parallel_loop3A_223, %parallel_loop3A_224, %parallel_loop3A_225, %parallel_loop3A_226], %parallel_loop3A_220 {strides = array<i32>} : memref<2x20x2x128xf32, #tpu.memory_space<vmem>>, vector<16xf32>,
          %parallel_loop3A_228 = arith.constant 3 : i32
          %parallel_loop3A_229 = vector.broadcast %parallel_loop3A_228 : i32 to vector<16xi32>
          %parallel_loop3A_230 = tpu.vector_load_idx %arg5[%parallel_loop3A_229, %parallel_loop3A_150] : memref<8x10240xf32, #tpu.memory_space<vmem>>[vector<16xi32>, vector<16xi32>], vector<16xf32>,
          %parallel_loop3A_231 = arith.constant 7 : i32
          %parallel_loop3A_232 = vector.broadcast %parallel_loop3A_231 : i32 to vector<16xi32>
          %parallel_loop3A_233 = tpu.vector_load_idx %arg5[%parallel_loop3A_232, %parallel_loop3A_155] : memref<8x10240xf32, #tpu.memory_space<vmem>>[vector<16xi32>, vector<16xi32>], vector<16xf32>,
          %parallel_loop3A_234 = arith.addf %parallel_loop3A_230, %parallel_loop3A_233 : vector<16xf32>
          %parallel_loop3A_235 = math.exp %parallel_loop3A_234 : vector<16xf32>
          %parallel_loop3A_236 = arith.constant 5.000000e-01 : f32
          %parallel_loop3A_237 = vector.broadcast %parallel_loop3A_236 : f32 to vector<16xf32>
          %parallel_loop3A_238 = arith.addf %parallel_loop3A_235, %parallel_loop3A_237 : vector<16xf32>
          %parallel_loop3A_239 = arith.constant 1.000000e+00 : f32
          %parallel_loop3A_240 = vector.broadcast %parallel_loop3A_239 : f32 to vector<16xf32>
          %parallel_loop3A_241 = arith.divf %parallel_loop3A_240, %parallel_loop3A_238 : vector<16xf32>
          %parallel_loop3A_242 = arith.constant 1.000000e+00 : f32
          %parallel_loop3A_243 = vector.broadcast %parallel_loop3A_242 : f32 to vector<16xf32>
          %parallel_loop3A_244 = arith.subf %parallel_loop3A_243, %parallel_loop3A_241 : vector<16xf32>
          %parallel_loop3A_245 = arith.constant 1 : i32
          %parallel_loop3A_246 = arith.constant 1 : i32
          %parallel_loop3A_247 = arith.index_cast %parallel_loop3A_245 : i32 to index
          %parallel_loop3A_248 = arith.index_cast %parallel_loop3A_127 : i32 to index
          %parallel_loop3A_249 = arith.index_cast %parallel_loop3A_246 : i32 to index
          %parallel_loop3A_250 = arith.index_cast %parallel_loop3A_145 : i32 to index
          %parallel_loop3A_251 = tpu.vector_load %arg9[%parallel_loop3A_247, %parallel_loop3A_248, %parallel_loop3A_249, %parallel_loop3A_250] {strides = array<i32>} : memref<2x20x2x128xf32, #tpu.memory_space<vmem>>, vector<16xf32>,
          tpu.vector_store %arg9[%parallel_loop3A_247, %parallel_loop3A_248, %parallel_loop3A_249, %parallel_loop3A_250], %parallel_loop3A_244 {strides = array<i32>} : memref<2x20x2x128xf32, #tpu.memory_space<vmem>>, vector<16xf32>,
        } {sc.loop_unroll_factor = 4 : i64, sc.parallel_access}
        %mul3A_94 = arith.constant 20 : i32
        %mul3A_95 = arith.muli %add3A_62, %mul3A_94 : i32
        %dma_start3A = arith.constant 0 : i32
        %dma_start3A_96 = arith.constant 0 : i32
        %dma_start3A_97 = arith.constant 0 : i32
        %dma_start3A_98 = tpu.memref_slice %arg4[%dma_start3A, %mul3A_95, %dma_start3A_96, %dma_start3A_97] : memref<2x2500x2x128xf32, #tpu.memory_space<hbm>> -> memref<2x20x2x128xf32, #tpu.memory_space<hbm>>
        %dma_start3A_99 = arith.constant 0 : i32
        %dma_start3A_100 = arith.constant 0 : i32
        %dma_start3A_101 = arith.constant 0 : i32
        %dma_start3A_102 = tpu.memref_slice %arg4[%dma_start3A_99, %mul3A_95, %dma_start3A_100, %dma_start3A_101] : memref<2x2500x2x128xf32, #tpu.memory_space<hbm>> -> memref<2x20x2x128xf32, #tpu.memory_space<hbm>>
        tpu.enqueue_dma source(%arg9 : memref<2x20x2x128xf32, #tpu.memory_space<vmem>>) target(%dma_start3A_102 : memref<2x20x2x128xf32, #tpu.memory_space<hbm>>) target_semaphore(%arg13 : memref<!tpu.dma_semaphore, #tpu.memory_space<semaphore_mem>>)
      } else {
      }
      %add3A_78 = arith.constant 64 : i32
      %add3A_79 = arith.addi %add3A_62, %add3A_78 : i32
      %lt3A_80 = arith.constant 125 : i32
      %lt3A_81 = arith.cmpi slt, %add3A_79, %lt3A_80 : i32
      %convert_element_type3A_82 = arith.extui %lt3A_81 : i1 to i32
      %cond3A_83 = arith.constant 0 : i32
      %cond3A_84 = arith.cmpi ne, %convert_element_type3A_82, %cond3A_83 : i32
      scf.if %cond3A_84 {
        %mul3A_85 = arith.constant 20 : i32
        %mul3A_86 = arith.muli %add3A_79, %mul3A_85 : i32
        %dma_start3A = arith.constant 0 : i32
        %dma_start3A_87 = arith.constant 0 : i32
        %dma_start3A_88 = tpu.memref_slice %arg3[%mul3A_86, %dma_start3A, %dma_start3A_87] : memref<2500x2x128xi32, #tpu.memory_space<hbm>> -> memref<20x2x128xi32, #tpu.memory_space<hbm>>
        %dma_start3A_89 = arith.constant 0 : i32
        %dma_start3A_90 = arith.constant 0 : i32
        %dma_start3A_91 = tpu.memref_slice %arg3[%mul3A_86, %dma_start3A_89, %dma_start3A_90] : memref<2500x2x128xi32, #tpu.memory_space<hbm>> -> memref<20x2x128xi32, #tpu.memory_space<hbm>>
        tpu.enqueue_dma source(%dma_start3A_91 : memref<20x2x128xi32, #tpu.memory_space<hbm>>) target(%arg7 : memref<20x2x128xi32, #tpu.memory_space<vmem>>) target_semaphore(%arg11 : memref<!tpu.dma_semaphore, #tpu.memory_space<semaphore_mem>>)
      } else {
      }
    }
    %scan3A_14 = arith.constant 2 : i32
    %add3A_15 = arith.constant 64 : i32
    %add3A_16 = arith.addi %add3A, %add3A_15 : i32
    %lt3A_17 = arith.constant 125 : i32
    %lt3A_18 = arith.cmpi slt, %add3A_16, %lt3A_17 : i32
    %convert_element_type3A_19 = arith.extui %lt3A_18 : i1 to i32
    %cond3A_20 = arith.constant 0 : i32
    %cond3A_21 = arith.cmpi ne, %convert_element_type3A_19, %cond3A_20 : i32
    scf.if %cond3A_21 {
      %mul3A_29 = arith.constant 20 : i32
      %mul3A_30 = arith.muli %add3A_16, %mul3A_29 : i32
      %dma_wait3A = arith.constant 0 : i32
      %dma_wait3A_31 = arith.constant 0 : i32
      %dma_wait3A_32 = arith.constant 0 : i32
      %dma_wait3A_33 = tpu.memref_slice %arg4[%dma_wait3A, %mul3A_30, %dma_wait3A_31, %dma_wait3A_32] : memref<2x2500x2x128xf32, #tpu.memory_space<hbm>> -> memref<2x20x2x128xf32, #tpu.memory_space<hbm>>
      %dma_wait3A_34 = arith.constant 0 : i32
      %dma_wait3A_35 = arith.constant 0 : i32
      %dma_wait3A_36 = arith.constant 0 : i32
      %dma_wait3A_37 = tpu.memref_slice %arg4[%dma_wait3A_34, %mul3A_30, %dma_wait3A_35, %dma_wait3A_36] : memref<2x2500x2x128xf32, #tpu.memory_space<hbm>> -> memref<2x20x2x128xf32, #tpu.memory_space<hbm>>
      tpu.wait_dma2 semaphore(%arg12 : memref<!tpu.dma_semaphore, #tpu.memory_space<semaphore_mem>>) src(%arg8 : memref<2x20x2x128xf32, #tpu.memory_space<vmem>>) dst(%dma_wait3A_37 : memref<2x20x2x128xf32, #tpu.memory_space<hbm>>)
    } else {
    }
    %add3A_22 = arith.constant 96 : i32
    %add3A_23 = arith.addi %add3A, %add3A_22 : i32
    %lt3A_24 = arith.constant 125 : i32
    %lt3A_25 = arith.cmpi slt, %add3A_23, %lt3A_24 : i32
    %convert_element_type3A_26 = arith.extui %lt3A_25 : i1 to i32
    %cond3A_27 = arith.constant 0 : i32
    %cond3A_28 = arith.cmpi ne, %convert_element_type3A_26, %cond3A_27 : i32
    scf.if %cond3A_28 {
      %mul3A_29 = arith.constant 20 : i32
      %mul3A_30 = arith.muli %add3A_23, %mul3A_29 : i32
      %dma_wait3A = arith.constant 0 : i32
      %dma_wait3A_31 = arith.constant 0 : i32
      %dma_wait3A_32 = arith.constant 0 : i32
      %dma_wait3A_33 = tpu.memref_slice %arg4[%dma_wait3A, %mul3A_30, %dma_wait3A_31, %dma_wait3A_32] : memref<2x2500x2x128xf32, #tpu.memory_space<hbm>> -> memref<2x20x2x128xf32, #tpu.memory_space<hbm>>
      %dma_wait3A_34 = arith.constant 0 : i32
      %dma_wait3A_35 = arith.constant 0 : i32
      %dma_wait3A_36 = arith.constant 0 : i32
      %dma_wait3A_37 = tpu.memref_slice %arg4[%dma_wait3A_34, %mul3A_30, %dma_wait3A_35, %dma_wait3A_36] : memref<2x2500x2x128xf32, #tpu.memory_space<hbm>> -> memref<2x20x2x128xf32, #tpu.memory_space<hbm>>
      tpu.wait_dma2 semaphore(%arg13 : memref<!tpu.dma_semaphore, #tpu.memory_space<semaphore_mem>>) src(%arg9 : memref<2x20x2x128xf32, #tpu.memory_space<vmem>>) dst(%dma_wait3A_37 : memref<2x20x2x128xf32, #tpu.memory_space<hbm>>)
    } else {
    }
    return
  }
}

module attributes {stable_mosaic.version = 14 : i64} {
  func.func @_mm_body(%arg0: memref<10000x128xf32, #tpu.memory_space<vmem>>, %arg1: memref<4x256xf32, #tpu.memory_space<vmem>>, %arg2: memref<8x10240xf32, #tpu.memory_space<vmem>>) attributes {dimension_semantics = [], scalar_prefetch = 0 : i64, scratch_operands = 0 : i64, tpu.core_type = #tpu.core_type<tc>} {
    %get3A = arith.constant 0 : index
    %get3A_0 = arith.constant 0 : index
    %get3A_1 = vector.load %arg0[%get3A, %get3A_0] : memref<10000x128xf32, #tpu.memory_space<vmem>>, vector<10000x128xf32>
    %get3A_2 = arith.constant 0 : index
    %get3A_3 = arith.constant 0 : index
    %get3A_4 = vector.load %arg1[%get3A_2, %get3A_3] : memref<4x256xf32, #tpu.memory_space<vmem>>, vector<4x256xf32>
    %broadcast_in_dim3A = arith.constant 0.000000e+00 : f32
    %broadcast_in_dim3A_5 = vector.broadcast %broadcast_in_dim3A : f32 to vector<240x128xf32>
    %concatenate3A = tpu.concatenate %get3A_1, %broadcast_in_dim3A_5 in 0 : vector<10000x128xf32>, vector<240x128xf32> -> vector<10240x128xf32>
    %mul3A = arith.constant 2.000000e+00 : f32
    %mul3A_6 = vector.broadcast %mul3A : f32 to vector<4x256xf32>
    %mul3A_7 = arith.mulf %get3A_4, %mul3A_6 : vector<4x256xf32>
    %slice3A = vector.extract_strided_slice %mul3A_7 {offsets = [0, 0], sizes = [4, 128], strides = [1, 1]} : vector<4x256xf32> to vector<4x128xf32>
    %dot_general3A = arith.constant dense<0.000000e+00> : vector<4x10240xf32>
    %dot_general3A_8 = tpu.matmul %slice3A, %concatenate3A, %dot_general3A {dimension_numbers = #tpu.dot_dimension_numbers<[1], [1], [0], [0], [0, 0, 1, 0], [], []>, transpose_lhs_hint = false} : vector<4x128xf32>, vector<10240x128xf32>, vector<4x10240xf32> -> vector<4x10240xf32>
    %slice3A_9 = vector.extract_strided_slice %mul3A_7 {offsets = [0, 128], sizes = [4, 128], strides = [1, 1]} : vector<4x256xf32> to vector<4x128xf32>
    %dot_general3A_10 = arith.constant dense<0.000000e+00> : vector<4x10240xf32>
    %dot_general3A_11 = tpu.matmul %slice3A_9, %concatenate3A, %dot_general3A_10 {dimension_numbers = #tpu.dot_dimension_numbers<[1], [1], [0], [0], [0, 0, 1, 0], [], []>, transpose_lhs_hint = false} : vector<4x128xf32>, vector<10240x128xf32>, vector<4x10240xf32> -> vector<4x10240xf32>
    %sub3A = arith.constant 0.693147182 : f32
    %sub3A_12 = vector.broadcast %sub3A : f32 to vector<4x10240xf32>
    %sub3A_13 = arith.subf %dot_general3A_11, %sub3A_12 : vector<4x10240xf32>
    %concatenate3A_14 = tpu.concatenate %dot_general3A_8, %sub3A_13 in 0 : vector<4x10240xf32>, vector<4x10240xf32> -> vector<8x10240xf32>
    %swap3A = arith.constant 0 : index
    %swap3A_15 = arith.constant 0 : index
    %swap3A_16 = vector.load %arg2[%swap3A, %swap3A_15] : memref<8x10240xf32, #tpu.memory_space<vmem>>, vector<8x10240xf32>
    tpu.vector_store %arg2[%swap3A, %swap3A_15], %concatenate3A_14 {strides = array<i32>} : memref<8x10240xf32, #tpu.memory_space<vmem>>, vector<8x10240xf32>,
    return
  }
}

</mosaic_0001>

<sc_bundles>
// kernel: kernel.4.cloned.1.call-start
scs
__scs_entry_jumppad:
0x0: {  	(pc) =	sbr.rel $0x88, $3  }
0x1: {  	(tag) =	ssettag $0x0;
	lr =	simm.s32 $0x1  }
0x2: {  	[smem:$0x3F9E] =	sst lr;
	_ =	strace $0xD0000000  }
0x3: {  	_ = 	snop  }
0x4: {  	_ = 	snop  }
0x5: {  	_ = 	snop  }
0x6: {  	_ = 	snop  }
0x7: {  	_ = 	snop  }
__scs_overlays_trampoline_lowered:
0x8: {  	[smem:$0x3FAD] =	sst s0  }
0x9: {  	[smem:$0x3FAE] =	sst s1  }
0xa: {  	[smem:$0x3FAF] =	sst s2  }
0xb: {  	[smem:$0x3FB0] =	sst s3  }
0xc: {  	[smem:$0x3FB1] =	sst s4  }
0xd: {  	[smem:$0x3FB2] =	sst s5  }
0xe: {  	[smem:$0x3FB3] =	sst s6  }
0xf: {  	[smem:$0x3FB4] =	sst s7  }
0x10: {  	[smem:$0x3FB5] =	sst s8  }
0x11: {  	[smem:$0x3FB6] =	sst s9;
	s0 =	simm.s32 @!p0 $0x0  }
0x12: {  	s1 =	sld [smem:$0x3F9C];
	s0 =	simm.s32 @p0 $0x1  }
0x13: {  	[smem:$0x3FB7] =	sst s0;
	s0 =	simm.s32 @!p1 $0x0  }
0x14: {  	s2 =	sld [smem:$0x3F9B];
	s0 =	simm.s32 @p1 $0x1  }
0x15: {  	[smem:$0x3FB8] =	sst s0;
	s0 =	simm.s32 @!p2 $0x0  }
0x16: {  	s3 =	sld [smem:$0x3FDB];
	s0 =	simm.s32 @p2 $0x1  }
0x17: {  	s4 =	simm.s32 $0x1BF5;
	[smem:$0x3FBA] =	sst s0  }
0x18: {  	s0 =	sld [smem:$0x3F9D];
	_ =	swait.ge [sflag:s4], $0x0  }
0x19: {  	s7 =	sld [smem:$0x3F9E]  }
0x1a: {  	s8 =	sadd.s32 $0xFFFFE003, lr  }
0x1b: {  	s9 =	sadd.s32 $0xFFFFFEF7, lr;
	s5 =	simm.s32 $0xFFFFFFFF;
	p2 =	slt.u32 s8, $0xFFFFF086  }
0x1c: {  	p1 =	slt.u32 s9, $0xF7A;
	s5 =	simm.s32 @!p2 $0x0  }
0x1d: {  	s5 =	simm.s32 @p1 $0x1;
	p0 =	seq.s32 s7, s2  }
0x1e: {  	s7 =	smul.u32 @!p0 $0xF7A, s2;
	p2 =	seq.s32 @!p0 s5, $0x0  }
0x1f: {  	s9 =	smul.u32 $0xF7A, s1;
	s8 =	simm.s32 @!p0 $0x1BF5;
	p2 =	por !p2, p0  }
0x20: {  	[sflag:s8] =	ssyncset.s32 @!p0 $0xFFFFF086;
	s6 =	sadd.s32 @!p0 s3, s7;
	s7 =	simm.s32 @!p0 $0x108  }
0x21: {  	s3 =	sadd.s32 s3, s9;
	s6 =	sadd.s32 @!p0 $0x88, s6;
	s7 =	simm.s32 @p2 $0x1082  }
0x22: {  	[simem:s7], [sflag:s8] =	dma.local @!p0 [hbm:s6], $0xF7A  }
0x23: {  	s9 =	sor.u32 $0xD0000000, s2;
	s6 =	simm.s32 $0x108;
	_ =	swait.ge @!p0 [sflag:s8], $0x0  }
0x24: {  	s3 =	sadd.s32 $0x88, s3;
	s6 =	simm.s32 @!p1 $0x1082;
	[sflag:s4] =	ssyncset.s32 $0xFFFFF086  }
0x25: {  	[simem:s6], [sflag:s4] =	dma.local [hbm:s3], $0xF7A  }
0x26: {  	[smem:$0x3F9E] =	sst s1;
	(tag) =	ssettag s2;
	_ =	strace s9  }
0x27: {  	s1 =	sld [smem:$0x3FAE]  }
0x28: {  	s2 =	sld [smem:$0x3FAF]  }
0x29: {  	s4 =	sld [smem:$0x3FB1]  }
0x2a: {  	p0 =	seq.s32 s5, $0x0;
	s5 =	sld [smem:$0x3FB2]  }
0x2b: {  	s6 =	sld [smem:$0x3FB3]  }
0x2c: {  	s7 =	sld [smem:$0x3FB4]  }
0x2d: {  	s3 =	simm.s32 $0x108;
	s8 =	sld [smem:$0x3FB5]  }
0x2e: {  	s3 =	simm.s32 @!p0 $0x1082;
	s9 =	sld [smem:$0x3FB6]  }
0x2f: {  	lr =	sadd.s32 s0, s3;
	s0 =	sld [smem:$0x3FAD]  }
0x30: {  	s3 =	sld [smem:$0x3FB0]  }
0x31: {  	[smem:$0x3FB9] =	sst s10  }
0x32: {  	s10 =	sld [smem:$0x3FB7];
	_ =	sdelay $0x3  }
0x33: {  	p0 =	seq.s32 s10, $0x1;
	s10 =	sld [smem:$0x3FB9];
	_ =	sdelay $0x3  }
0x34: {  	[smem:$0x3FB9] =	sst s10  }
0x35: {  	s10 =	sld [smem:$0x3FB8];
	_ =	sdelay $0x3  }
0x36: {  	p1 =	seq.s32 s10, $0x1;
	s10 =	sld [smem:$0x3FB9];
	_ =	sdelay $0x3  }
0x37: {  	[smem:$0x3FB9] =	sst s10  }
0x38: {  	s10 =	sld [smem:$0x3FBA]  }
0x39: {  	_ = 	snop;
	(pc) =	sbr.ind lr, $3  }
0x3a: {  	_ = 	snop  }
0x3b: {  	_ = 	snop  }
0x3c: {  	p2 =	seq.s32 s10, $0x1;
	s10 =	sld [smem:$0x3FB9]  }
0x3d: {  	_ =	shalt  }
0x3e: {  	_ =	shalt  }
0x3f: {  	_ =	shalt  }
0x40: {  	_ =	shalt  }
0x41: {  	_ =	shalt  }
0x42: {  	_ =	shalt  }
0x43: {  	_ =	shalt  }
0x44: {  	_ =	shalt  }
0x45: {  	_ =	shalt  }
0x46: {  	_ =	shalt  }
0x47: {  	_ =	shalt  }
0x48: {  	_ =	shalt  }
0x49: {  	_ =	shalt  }
0x4a: {  	_ =	shalt  }
0x4b: {  	_ =	shalt  }
0x4c: {  	_ =	shalt  }
0x4d: {  	_ =	shalt  }
0x4e: {  	_ =	shalt  }
0x4f: {  	_ =	shalt  }
0x50: {  	_ =	shalt  }
0x51: {  	_ =	shalt  }
0x52: {  	_ =	shalt  }
0x53: {  	_ =	shalt  }
0x54: {  	_ =	shalt  }
0x55: {  	_ =	shalt  }
0x56: {  	_ =	shalt  }
0x57: {  	_ =	shalt  }
0x58: {  	_ =	shalt  }
0x59: {  	_ =	shalt  }
0x5a: {  	_ =	shalt  }
0x5b: {  	_ =	shalt  }
0x5c: {  	_ =	shalt  }
0x5d: {  	_ =	shalt  }
0x5e: {  	_ =	shalt  }
0x5f: {  	_ =	shalt  }
0x60: {  	_ =	shalt  }
0x61: {  	_ =	shalt  }
0x62: {  	_ =	shalt  }
0x63: {  	_ =	shalt  }
0x64: {  	_ =	shalt  }
0x65: {  	_ =	shalt  }
0x66: {  	_ =	shalt  }
0x67: {  	_ =	shalt  }
0x68: {  	_ =	shalt  }
0x69: {  	_ =	shalt  }
0x6a: {  	_ =	shalt  }
0x6b: {  	_ =	shalt  }
0x6c: {  	_ =	shalt  }
0x6d: {  	_ =	shalt  }
0x6e: {  	_ =	shalt  }
0x6f: {  	_ =	shalt  }
0x70: {  	_ =	shalt  }
0x71: {  	_ =	shalt  }
0x72: {  	_ =	shalt  }
0x73: {  	_ =	shalt  }
0x74: {  	_ =	shalt  }
0x75: {  	_ =	shalt  }
0x76: {  	_ =	shalt  }
0x77: {  	_ =	shalt  }
0x78: {  	_ =	shalt  }
0x79: {  	_ =	shalt  }
0x7a: {  	_ =	shalt  }
0x7b: {  	_ =	shalt  }
0x7c: {  	_ =	shalt  }
0x7d: {  	_ =	shalt  }
0x7e: {  	_ =	shalt  }
0x7f: {  	_ =	shalt  }
0x80: {  	_ =	shalt  }
0x81: {  	_ =	shalt  }
0x82: {  	_ =	shalt  }
0x83: {  	_ =	shalt  }
0x84: {  	_ =	shalt  }
0x85: {  	_ =	shalt  }
0x86: {  	_ =	shalt  }
0x87: {  	_ =	shalt  }
.Lfunc_end0:
.L_simem_size_0:
called_computation_lowered:
.L_overlay_start_0:
0x88: {  	s2 =	sld [smem:$0x3FD9]  }
0x89: {  	s3 =	sld [smem:$0x3FFE];
	_ =	sdelay $0x1  }
0x8a: {  	s1 =	srdreg.scid  }
0x8b: {  	s0 =	sand.u32 $0x1, s1  }
0x8c: {  	s17 =	sshll.u32 s0, $0xA;
	s2 =	sadd.s32 s3, s2  }
0x8d: {  	s2 =	sadd.s32 s2, s17  }
0x8e: {  	[smem:$0x3FC5] =	sst s2  }
0x8f: {  	_ = 	snop  }
0x90: {  	s2 =	sld [smem:$0x3FC8]  }
0x91: {  	s18 =	sld [smem:$0x3FD0];
	(tm) =	ssettm $0x1  }
0x92: {  	s4 =	sld [smem:$0x3FFB];
	_ =	sdelay $0x3  }
0x93: {  	_ =	strace s4  }
0x94: {  	s4 =	sld [smem:$0x3FFC];
	_ =	sdelay $0x3  }
0x95: {  	_ =	strace s4  }
0x96: {  	s4 =	sld [smem:$0x3FFD];
	_ =	sdelay $0x3  }
0x97: {  	_ =	strace s4  }
0x98: {  	_ =	strace $0x8FFFFFFF  }
0x99: {  	s19 =	sld [smem:$0x3FDB];
	_ =	sdelay $0x1  }
0x9a: {  	s5 =	simm.s32 $_scs_section_size  }
0x9b: {  	s6 =	simm.s32 $_size__tile_overlayer_lowered;
	s7 =	simm.s32 $_tile_overlayer_lowered  }
0x9c: {  	s22 =	simm.s32 $0x1BFF;
	s21 =	sshll.u32 s7, $0x1;
	s4 =	sadd.s32 s5, s19  }
0x9d: {  	s8 =	simm.s32 $0x0;
	s20 =	sshll.u32 s6, $0x1;
	s6 =	sadd.s32 s21, s4  }
0x9e: {  	[timem:s8], [sflag:s22] =	dma.local [hbm:s6], s20  }
0x9f: {  	_ =	swait.ge [sflag:s22], s20  }
0xa0: {  	s5 =	ssub.s32 $0x0, s20;
	[sflag:s22] =	ssyncset.done $0x0  }
0xa1: {  	[sflag:s22] =	ssyncadd.s32 s5;
	_ =	sdelay $0x1  }
0xa2: {  	s23 =	simm.s32 $0x1B8B  }
0xa3: {  	_ =	swait.ge [sflag:s23], $0x1  }
0xa4: {  	[sflag:s23] =	ssyncset.done $0x0  }
0xa5: {  	s25 =	simm.s32 $0x1B8E;
	s24 =	sld [smem:$0x3FFE];
	[sflag:s23] =	ssyncadd.s32 $0xFFFFFFFF  }
0xa6: {  	s26 =	simm.s32 $execute0_lowered;
	[smem:$0x3FD2] =	sst s25  }
0xa7: {  	s6 =	sshll.u32 s26, $0x1;
	_ =	strace $0x80000046;
	[dreg:$0x1] =	wrdreg $0xFFFFFFFF  }
0xa8: {  	s28 =	simm.s32 $_size_execute0_lowered;
	s4 =	sadd.s32 s4, s6;
	[dreg:$0x0] =	wrdreg $0x0  }
0xa9: {  	s6 =	sshll.u32 s28, $0x1;
	[dreg:$0x2] =	wrdreg s4  }
0xaa: {  	[dreg:$0x3] =	wrdreg s6  }
0xab: {  	[dreg:$0x4] =	wrdreg $0xC0  }
0xac: {  	_ =	task [dreg:s8], $0x5FFFF  }
0xad: {  	[dreg:$0x1] =	wrdreg $0xFFFFFFFF  }
0xae: {  	[dreg:$0x0] =	wrdreg $0x60  }
0xaf: {  	[dreg:$0x2] =	wrdreg s24  }
0xb0: {  	[dreg:$0x3] =	wrdreg s2  }
0xb1: {  	[dreg:$0x4] =	wrdreg s18  }
0xb2: {  	[dreg:$0x5] =	wrdreg $0x9  }
0xb3: {  	_ =	task.clear_ibuf [dreg:s8], $0x6FFFF;
	_ =	strace $0x90000046  }
0xb4: {  	s29 =	simm.s32 $0x9;
	_ =	strace $0x80000048  }
0xb5: {  	_ =	swait.ge [sflag:s29], $0x1  }
0xb6: {  	[sflag:s29] =	ssyncadd.s32 $0xFFFFFFFF  }
0xb7: {  	_ =	strace $0x90000048  }
0xb8: {  	_ =	sfence  }
0xb9: {  	s30 =	sld [smem:$0x0];
	_ =	sdelay $0x2  }
0xba: {  	s31 =	sshll.u32 s1, $0xD;
	s1 =	sshrl.u32 s1, $0x2  }
0xbb: {  	s3 =	sand.u32 $0x4000, s31;
	s1 =	sadd.s32 s1, s30  }
0xbc: {  	s0 =	sor.u32 s3, s0;
	s1 =	sshll.u32 s1, $0x11  }
0xbd: {  	s0 =	sor.u32 s1, s0  }
0xbe: {  	s0 =	sadd.s32 $0x8F2B, s0  }
0xbf: {  	[sflag:s0] =	ssyncadd.remote.s32 $0x1  }
0xc0: {  	_ =	sfence.sel $0xFFFF  }
0xc1: {  	[dreg:$0x0] =	wrdreg $0xFFFFFFFF;
	(pc) =	sbr.abs _section_cstart, $3  }
0xc2: {  	[dreg:$0x1] =	wrdreg $0xFFFFFFFF  }
0xc3: {  	_ =	task.clear_ibuf [dreg:s8], $0x2FFFF;
	_ =	strace $0x9FFFFFFF  }
0xc4: {  	(tm) =	ssettm $0x7FFFFFFF  }
0xc5: {  	_ =	shalt  }
tec
execute0_lowered:
.L_overlay_start_1:
0x0: {  	(tag) =	ssettag $0x1  }
0x1: {  	s0 =	rddreg [dreg:$0x0]  }
0x2: {  	s5 =	rddreg [dreg:$0x1]  }
0x3: {  	s1 =	srdreg.scid;
	s2 =	stileid.u32  }
0x4: {  	s26 =	simm.s32 $0x0;
	s1 =	sand.u32 $0x1, s1;
	s2 =	sshll.u32 s2, $0x1  }
0x5: {  	[smem:$0x7FF] =	sst s26;
	s0 =	sadd.s32 $0x800, s0;
	s6 =	sor.u32 s1, s2  }
0x6: {  	_ =	strace $0x80000047;
	s1 =	ssub.s32 $0x2, s1;
	s2 =	smul.u32 $0x1400, s6  }
0x7: {  	[smem:$0x7F8] =	sst s0;
	s3 =	smul.u32 $0x280, s6;
	s29 =	sshrl.u32 s1, $0x1  }
0x8: {  	[smem:$0x7FD] =	sst s6;
	s0 =	ssub.s32 s1, s29  }
.Ltmp0:
0x9: {  	s2 =	sshrl.u32 s2, $0x3;
	s30 =	sadd.s32 s5, s3;
	(pc) =	sbr.rel .LBB2_1-.Ltmp0, $4  }
0xa: {  	s0 =	smax.u32 s0, $0x1;
	[smem:$0x7F9] =	sst s30;
	s31 =	sadd.s32 s5, s2  }
0xb: {  	[smem:$0x7FC] =	sst s0;
	s2 =	sadd.s32 $0x5000, s31  }
0xc: {  	s1 =	sadd.s32 $0xA000, s31;
	[smem:$0x7FA] =	sst s2  }
0xd: {  	p0 =	sgt.u32 s6, $0x1C;
	[smem:$0x7FB] =	sst s1;
	s2 =	simm.s32 $0x0  }
.LBB2_9:
0xe: {  	s0 =	simm.s32 $0x3  }
0xf: {  	_ =	swait.ge [sflag:s0], $0x2800  }
0x10: {  	[sflag:s0] =	ssyncset.done $0x0  }
0x11: {  	[sflag:s0] =	ssyncadd.s32 $0xFFFFD800;
	s0 =	simm.s32 @!p0 $0x4  }
0x12: {  	_ =	swait.ge @!p0 [sflag:s0], $0x2800  }
0x13: {  	s2 =	sld [smem:$0x7F7]  }
0x14: {  	s1 =	sld [smem:$0x7FC];
	_ =	sdelay $0x1  }
0x15: {  	s2 =	sadd.s32 $0x1, s2  }
0x16: {  	p1 =	sne.s32 s2, s1  }
.Ltmp1:
0x17: {  	_ = 	snop;
	(pc) =	sbr.rel @!p1 .LBB2_10-.Ltmp1, $3  }
0x18: {  	_ =	sdelay $0x1  }
0x19: {  	[sflag:s0] =	ssyncset.done @!p0 $0x0  }
0x1a: {  	[sflag:s0] =	ssyncadd.s32 @!p0 $0xFFFFD800  }
.LBB2_1:
0x1b: {  	s0 =	sld [smem:$0x7F9];
	_ =	sdelay $0x1  }
0x1c: {  	s1 =	simm.s32 $0x14000;
	s25 =	sld [smem:$0x7FA]  }
0x1d: {  	[tilespmem:s1], [sflag:$0x1] =	stream.linear.gather [hbm4b:s0+s26], $0x1400, $0x38;
	[tilespmem:$0x1B800] =	vst v63  }
0x1e: {  	s29 =	simm.s32 $0x15400;
	s30 =	sld [smem:$0x7F8]  }
0x1f: {  	[tilespmem:s29], [sflag:$0x2] =	stream.linear.gather [hbm4b:s25+s26], $0x1400, $0x38;
	[tilespmem:$0x1B800] =	vst v63  }
.Ltmp2:
0x20: {  	[smem:$0x7F7] =	sst s2;
	s31 =	simm.s32 $0x5;
	(pc) =	sbr.rel .LBB2_2-.Ltmp2, $4  }
0x21: {  	[tilespmem:s26], [sflag:$0x5] =	stream.linear.gather [hbm4b:s30+s26], $0x14000, $0x38;
	[tilespmem:$0x1B800] =	vst v63  }
0x22: {  	_ =	swait.ge [sflag:s31], $0x14000  }
0x23: {  	[sflag:s31] =	ssyncset.done $0x0  }
0x24: {  	p2 =	por $0x1, $0x1;
	s28 =	simm.s32 $0x0;
	[sflag:s31] =	ssyncadd.s32 $0xFFFEC000  }
.LBB2_8:
.Ltmp3:
0x25: {  	(pc) =	sbr.rel @!p1 .LBB2_9-.Ltmp3, $2  }
0x26: {  	_ =	sdelay $0x2  }
0x27: {  	s28 =	simm.s32 $0x40;
	p2 =	por $0x0, $0x0  }
.LBB2_2:
0x28: {  	p1 =	por p2, p2;
	s0 =	simm.s32 @!p2 $0x3  }
0x29: {  	s1 =	simm.s32 $0x1;
	s16 =	simm.s32 $0x0;
	_ =	swait.ge @!p2 [sflag:s0], $0x2800  }
0x2a: {  	s2 =	simm.s32 $0x1;
	s18 =	sand.u32 $0x40, s16;
	[sflag:s0] =	ssyncset.done @!p2 $0x0  }
0x2b: {  	s29 =	sand.u32 $0x1F00, s16;
	p2 =	por $0x0, $0x0;
	[sflag:s0] =	ssyncadd.s32 @!p1 $0xFFFFD800  }
0x2c: {  	s16 =	sor.u32 $0x10, s18;
	s1 =	simm.s32 @!p2 $0x0;
	_ =	swait.ge [sflag:s2], $0x1400  }
0x2d: {  	s20 =	sor.u32 $0x20, s18;
	s15 =	sshll.u32 s1, $0x6;
	[sflag:s2] =	ssyncset.done $0x0  }
0x2e: {  	s0 =	sadd.s32 $0x0, s15;
	[sflag:s2] =	ssyncadd.s32 $0xFFFFEC00;
	s2 =	sor.u32 s29, s16  }
0x2f: {  	s7 =	sor.u32 s29, s20;
	s17 =	sadd.s32 $0x10, s0;
	v29 =	vld [tilespmem:s2+$0x14000]  }
0x30: {  	s3 =	sadd.s32 $0x20, s0;
	s1 =	sor.u32 $0x80, s17;
	v32 =	vld [tilespmem:s7+$0x14000]  }
0x31: {  	s13 =	sor.u32 $0x80, s3;
	v31 =	vld [tilespmem:s1+$0x14000]  }
0x32: {  	v30 =	vld [tilespmem:s13+$0x14000]  }
0x33: {  	s5 =	sor.u32 s18, s29  }
0x34: {  	s6 =	sadd.s32 $0x30, s0;
	s10 =	sor.u32 $0x80, s0;
	v26 =	vld [tilespmem:s5+$0x14000]  }
0x35: {  	s24 =	sor.u32 $0x30, s18;
	s8 =	sor.u32 $0x80, s6;
	v25 =	vld [tilespmem:s10+$0x14000]  }
0x36: {  	s3 =	sor.u32 s29, s24;
	v28 =	vld [tilespmem:s8+$0x14000];
	v0 =	vadd.s32 $0xA000, v31  }
0x37: {  	v27 =	vld [tilespmem:s3+$0x14000];
	v1 =	vadd.s32 $0xA000, v30;
	_ =	sdelay $0x1  }
0x38: {  	v2 =	vld.idx.msk [tilespmem:v29+s26+$0x0], $0xffff  }
0x39: {  	v3 =	vld.idx.msk [tilespmem:v32+s26+$0x0], $0xffff  }
0x3a: {  	v4 =	vadd.s32 $0xA000, v28;
	v0 =	vld.idx.msk [tilespmem:v0+s26+$0x0], $0xffff  }
0x3b: {  	v5 =	vadd.s32 $0xA000, v25;
	v1 =	vld.idx.msk [tilespmem:v1+s26+$0x0], $0xffff;
	_ =	sdelay $0x1  }
0x3c: {  	v6 =	vld.idx.msk [tilespmem:v26+s26+$0x0], $0xffff  }
0x3d: {  	v7 =	vld.idx.msk [tilespmem:v27+s26+$0x0], $0xffff  }
0x3e: {  	v0 =	vadd.f32 v0, v2;
	v2 =	vld.idx.msk [tilespmem:v4+s26+$0x0], $0xffff  }
0x3f: {  	v1 =	vadd.f32 v1, v3;
	v3 =	vld.idx.msk [tilespmem:v5+s26+$0x0], $0xffff  }
0x40: {  	v0 =	vmul.f32 $1.442695020e+00, v0  }
0x41: {  	v1 =	vmul.f32 $1.442695020e+00, v1  }
0x42: {  	(erf) = vpow2.f32 v0  }
0x43: {  	(erf) = vpow2.f32 v1;
	v0 =	vadd.f32 v2, v7  }
0x44: {  	v1 =	vadd.f32 v3, v6  }
0x45: {  	v0 =	vmul.f32 $1.442695020e+00, v0  }
0x46: {  	v1 =	vmul.f32 $1.442695020e+00, v1  }
0x47: {  	p2 =	por !p2, !p2;
	s0 =	simm.s32 $0x1;
	(erf) = vpow2.f32 v0  }
0x48: {  	s0 =	simm.s32 @!p2 $0x0;
	(erf) = vpow2.f32 v1  }
0x49: {  	s0 =	sshll.u32 s0, $0x6  }
0x4a: {  	s19 =	simm.s32 $0x40;
	s21 =	simm.s32 $0x80;
	s9 =	sadd.s32 $0x80, s0  }
0x4b: {  	s12 =	sand.u32 $0x40, s19;
	s30 =	sand.u32 $0x1F00, s21;
	s11 =	sadd.s32 $0x10, s9;
	v0 =	vpop (erf)  }
0x4c: {  	s23 =	sor.u32 $0x10, s12;
	s4 =	sor.u32 $0x20, s12;
	s25 =	sor.u32 $0x80, s11;
	v0 =	vadd.f32 $5.000000000e-01, v0;
	v1 =	vpop (erf)  }
0x4d: {  	s19 =	sor.u32 s30, s4;
	s22 =	sadd.s32 $0x20, s9;
	v17 =	vld [tilespmem:s25+$0x14000];
	[dreg:$0x4] =	wrdreg s23;
	v1 =	vadd.f32 $5.000000000e-01, v1  }
0x4e: {  	s0 =	sor.u32 $0x80, s22;
	v15 =	vld [tilespmem:s19+$0x14000];
	(erf) = vrcp.f32 v0  }
0x4f: {  	s14 =	sor.u32 s30, s23;
	v23 =	vld [tilespmem:s0+$0x14000];
	(erf) = vrcp.f32 v1  }
0x50: {  	s15 =	sor.u32 $0x30, s12;
	v22 =	vld [tilespmem:s14+$0x14000];
	v0 =	vpop (erf)  }
0x51: {  	s6 =	sor.u32 s30, s15;
	s21 =	sadd.s32 $0x30, s9;
	[dreg:$0x5] =	wrdreg s15;
	v0 =	vadd.f32 $5.000000000e-01, v0;
	v1 =	vpop (erf)  }
0x52: {  	s31 =	sor.u32 $0x80, s21;
	v12 =	vld [tilespmem:s6+$0x14000];
	v2 =	vadd.s32 $0xA000, v17;
	v1 =	vadd.f32 $5.000000000e-01, v1  }
0x53: {  	s17 =	smov.u32 s4;
	s4 =	sor.u32 $0x80, s9;
	s15 =	sor.u32 s12, s30;
	v13 =	vld [tilespmem:s31+$0x14000];
	(erf) = vrcp.f32 v0  }
0x54: {  	v5 =	vld [tilespmem:s15+$0x14000];
	[smem:$0x7F5] =	sst s4;
	v0 =	vadd.s32 $0xA000, v23;
	(erf) = vrcp.f32 v1  }
0x55: {  	v19 =	vld [tilespmem:s4+$0x14000]  }
0x56: {  	v6 =	vld.idx.msk [tilespmem:v15+s26+$0x0], $0xffff  }
0x57: {  	v4 =	vadd.s32 $0x2800, v32;
	v2 =	vld.idx.msk [tilespmem:v2+s26+$0x0], $0xffff;
	v3 =	vpop (erf)  }
0x58: {  	v9 =	vadd.s32 $0xC800, v30;
	v1 =	vld.idx.msk [tilespmem:v22+s26+$0x0], $0xffff;
	v7 =	vpop (erf)  }
0x59: {  	v8 =	vadd.s32 $0xA000, v13;
	v0 =	vld.idx.msk [tilespmem:v0+s26+$0x0], $0xffff;
	v7 =	vsub.f32 $1.000000000e+00, v7;
	_ =	sdelay $0x1  }
0x5a: {  	v10 =	vld.idx.msk [tilespmem:v12+s26+$0x0], $0xffff;
	[tilespmem:s7+$0x16800] =	vst v7;
	v7 =	vadd.s32 $0xA000, v19  }
0x5b: {  	v14 =	vadd.s32 $0x2800, v26;
	v4 =	vld.idx.msk [tilespmem:v4+s26+$0x0], $0xffff;
	v11 =	vpop (erf)  }
0x5c: {  	v16 =	vadd.s32 $0xC800, v25;
	v1 =	vadd.f32 v2, v1;
	v2 =	vld.idx.msk [tilespmem:v9+s26+$0x0], $0xffff;
	v9 =	vpop (erf)  }
0x5d: {  	v8 =	vld.idx.msk [tilespmem:v8+s26+$0x0], $0xffff;
	v0 =	vadd.f32 v0, v6;
	v9 =	vsub.f32 $1.000000000e+00, v9  }
0x5e: {  	v1 =	vmul.f32 $1.442695020e+00, v1;
	v6 =	vld.idx.msk [tilespmem:v5+s26+$0x0], $0xffff  }
0x5f: {  	v0 =	vmul.f32 $1.442695020e+00, v0;
	v7 =	vld.idx.msk [tilespmem:v7+s26+$0x0], $0xffff;
	[tilespmem:s5+$0x16800] =	vst v9  }
0x60: {  	(erf) = vpow2.f32 v1;
	v1 =	vld.idx.msk [tilespmem:v14+s26+$0x0], $0xffff  }
0x61: {  	(erf) = vpow2.f32 v0;
	v0 =	vadd.f32 v2, v4;
	v2 =	vld.idx.msk [tilespmem:v16+s26+$0x0], $0xffff  }
0x62: {  	v8 =	vadd.f32 v8, v10;
	_ =	sdelay $0x1  }
0x63: {  	v4 =	vmul.f32 $1.442695020e+00, v8  }
0x64: {  	v0 =	vmul.f32 $1.442695020e+00, v0;
	v6 =	vadd.f32 v7, v6  }
0x65: {  	(erf) = vpow2.f32 v4;
	v1 =	vadd.f32 v2, v1  }
0x66: {  	(erf) = vpow2.f32 v0;
	v0 =	vmul.f32 $1.442695020e+00, v6;
	v6 =	vsub.f32 $1.000000000e+00, v11;
	_ =	sdelay $0x1  }
0x67: {  	v4 =	vadd.s32 $0x2800, v27  }
0x68: {  	v2 =	vadd.s32 $0xC800, v28;
	(erf) = vpow2.f32 v0;
	v0 =	vmul.f32 $1.442695020e+00, v1;
	v1 =	vpop (erf)  }
0x69: {  	[tilespmem:s3+$0x16800] =	vst v6;
	v6 =	vpop (erf)  }
0x6a: {  	p2 =	por !p2, !p2;
	v7 =	vadd.s32 $0x2800, v29;
	s3 =	simm.s32 $0x1;
	(erf) = vpow2.f32 v0;
	v0 =	vadd.f32 $5.000000000e-01, v6  }
0x6b: {  	v3 =	vsub.f32 $1.000000000e+00, v3;
	s3 =	simm.s32 @!p2 $0x0;
	v1 =	vadd.f32 $5.000000000e-01, v1  }
0x6c: {  	s22 =	simm.s32 $0x80;
	v4 =	vld.idx.msk [tilespmem:v4+s26+$0x0], $0xffff;
	s3 =	sshll.u32 s3, $0x6  }
0x6d: {  	s21 =	sand.u32 $0x40, s22;
	s23 =	simm.s32 $0x100;
	[tilespmem:s2+$0x16800] =	vst v3;
	s2 =	sadd.s32 $0x100, s3;
	(erf) = vrcp.f32 v1;
	v1 =	vld.idx.msk [tilespmem:v2+s26+$0x0], $0xffff;
	v2 =	vadd.s32 $0xC800, v31  }
0x6e: {  	s22 =	sand.u32 $0x1F00, s23;
	s4 =	sor.u32 $0x30, s21;
	s5 =	sadd.s32 $0x10, s2;
	(erf) = vrcp.f32 v0;
	v0 =	vpop (erf)  }
0x6f: {  	s11 =	sor.u32 s22, s4;
	v6 =	vld.idx.msk [tilespmem:v7+s26+$0x0], $0xffff;
	[dreg:$0xa] =	wrdreg s4;
	s3 =	sor.u32 $0x80, s5;
	v3 =	vpop (erf)  }
0x70: {  	s7 =	sadd.s32 $0x20, s2;
	v11 =	vld [tilespmem:s11+$0x14000];
	[dreg:$0x19] =	wrdreg s3;
	v3 =	vadd.f32 $5.000000000e-01, v3  }
0x71: {  	s9 =	smov.u32 s16;
	v7 =	vadd.f32 $5.000000000e-01, v0;
	v0 =	vld [tilespmem:s3+$0x14000];
	s3 =	sor.u32 $0x80, s7  }
0x72: {  	s16 =	sor.u32 $0x10, s21;
	s23 =	sadd.s32 $0x30, s2;
	v1 =	vadd.f32 v1, v4;
	v2 =	vld.idx.msk [tilespmem:v2+s26+$0x0], $0xffff;
	[dreg:$0x1f] =	wrdreg s3;
	(erf) = vrcp.f32 v3  }
0x73: {  	s7 =	sor.u32 s22, s16;
	v8 =	vpop (erf);
	(erf) = vrcp.f32 v7;
	v7 =	vld [tilespmem:s3+$0x14000];
	[dreg:$0xb] =	wrdreg s16;
	s3 =	sor.u32 $0x80, s23  }
0x74: {  	s4 =	sor.u32 $0x20, s21;
	v3 =	vadd.f32 $5.000000000e-01, v8;
	v4 =	vmul.f32 $1.442695020e+00, v1;
	v1 =	vld [tilespmem:s7+$0x14000];
	[dreg:$0x1c] =	wrdreg s3  }
0x75: {  	v10 =	vpop (erf);
	s23 =	sor.u32 s22, s4;
	v9 =	vld [tilespmem:s3+$0x14000];
	[dreg:$0xd] =	wrdreg s4  }
0x76: {  	v16 =	vadd.s32 $0x2800, v15;
	s2 =	sor.u32 $0x80, s2;
	(erf) = vrcp.f32 v3;
	v14 =	vpop (erf);
	v8 =	vld [tilespmem:s23+$0x14000];
	[dreg:$0x7] =	wrdreg s21  }
0x77: {  	s16 =	smov.u32 s12;
	s12 =	sor.u32 s21, s22;
	v10 =	vadd.f32 $5.000000000e-01, v10;
	v20 =	vadd.s32 $0xA000, v0;
	(erf) = vpow2.f32 v4;
	v18 =	vpop (erf);
	[dreg:$0xf] =	wrdreg s22  }
0x78: {  	v4 =	vadd.s32 $0xC800, v23;
	v6 =	vadd.f32 v2, v6;
	v18 =	vsub.f32 $1.000000000e+00, v18;
	v3 =	vld [tilespmem:s12+$0x14000];
	[dreg:$0x1d] =	wrdreg s2  }
0x79: {  	v2 =	vld [tilespmem:s2+$0x14000]  }
0x7a: {  	(erf) = vrcp.f32 v10;
	v6 =	vmul.f32 $1.442695020e+00, v6;
	[tilespmem:s19+$0x16800] =	vst v18;
	v18 =	vld.idx.msk [tilespmem:v11+s26+$0x0], $0xffff;
	v10 =	vadd.s32 $0xA000, v7  }
0x7b: {  	v16 =	vld.idx.msk [tilespmem:v16+s26+$0x0], $0xffff  }
0x7c: {  	v20 =	vld.idx.msk [tilespmem:v20+s26+$0x0], $0xffff;
	v24 =	vadd.s32 $0xA000, v9;
	v21 =	vpop (erf);
	(erf) = vpow2.f32 v6  }
0x7d: {  	v4 =	vld.idx.msk [tilespmem:v4+s26+$0x0], $0xffff  }
0x7e: {  	v33 =	vld.idx.msk [tilespmem:v1+s26+$0x0], $0xffff  }
0x7f: {  	v6 =	vpop (erf);
	v10 =	vld.idx.msk [tilespmem:v10+s26+$0x0], $0xffff  }
0x80: {  	v34 =	vpop (erf);
	v35 =	vld.idx.msk [tilespmem:v8+s26+$0x0], $0xffff  }
0x81: {  	v38 =	vadd.s32 $0xA000, v2;
	v36 =	vpop (erf);
	v24 =	vld.idx.msk [tilespmem:v24+s26+$0x0], $0xffff  }
0x82: {  	v37 =	vadd.s32 $0x5000, v32;
	v59 =	vadd.s32 $0x2800, v5;
	v36 =	vadd.f32 $5.000000000e-01, v36  }
0x83: {  	v39 =	vadd.s32 $0xC800, v19;
	v21 =	vsub.f32 $1.000000000e+00, v21;
	v20 =	vadd.f32 v20, v33  }
0x84: {  	v61 =	vpop (erf);
	v4 =	vadd.f32 v4, v16;
	v16 =	vadd.s32 $0xF000, v30;
	(erf) = vrcp.f32 v36  }
0x85: {  	v60 =	vsub.f32 $1.000000000e+00, v34;
	[tilespmem:s13+$0x16800] =	vst v21;
	v21 =	vld.idx.msk [tilespmem:v3+s26+$0x0], $0xffff;
	v10 =	vadd.f32 v10, v35;
	v20 =	vmul.f32 $1.442695020e+00, v20;
	v62 =	vpop (erf)  }
0x86: {  	v63 =	vld.idx.msk [tilespmem:v38+s26+$0x0], $0xffff;
	v18 =	vadd.f32 v24, v18;
	v24 =	vadd.f32 $5.000000000e-01, v62  }
0x87: {  	v37 =	vld.idx.msk [tilespmem:v37+s26+$0x0], $0xffff;
	[tilespmem:s15+$0x16800] =	vst v60;
	v10 =	vmul.f32 $1.442695020e+00, v10;
	(erf) = vpow2.f32 v20  }
0x88: {  	v40 =	vadd.s32 $0x5000, v26;
	v41 =	vld.idx.msk [tilespmem:v59+s26+$0x0], $0xffff;
	v18 =	vmul.f32 $1.442695020e+00, v18;
	(erf) = vrcp.f32 v24  }
0x89: {  	v4 =	vmul.f32 $1.442695020e+00, v4;
	v16 =	vld.idx.msk [tilespmem:v16+s26+$0x0], $0xffff;
	v20 =	vadd.s32 $0xF000, v25;
	(erf) = vpow2.f32 v10  }
0x8a: {  	v34 =	vsub.f32 $1.000000000e+00, v61;
	v10 =	vld.idx.msk [tilespmem:v39+s26+$0x0], $0xffff;
	(erf) = vpow2.f32 v18  }
0x8b: {  	(erf) = vpow2.f32 v4;
	v4 =	vadd.f32 v63, v21  }
0x8c: {  	[tilespmem:s10+$0x16800] =	vst v34;
	v24 =	vadd.s32 $0xF000, v28  }
0x8d: {  	v34 =	vld.idx.msk [tilespmem:v40+s26+$0x0], $0xffff;
	v18 =	vadd.s32 $0x5000, v27;
	v42 =	vpop (erf);
	v4 =	vmul.f32 $1.442695020e+00, v4  }
0x8e: {  	v16 =	vadd.f32 v16, v37;
	v20 =	vld.idx.msk [tilespmem:v20+s26+$0x0], $0xffff;
	v21 =	vsub.f32 $1.000000000e+00, v42  }
0x8f: {  	v43 =	vadd.s32 $0x2800, v22;
	v44 =	vadd.s32 $0xC800, v13;
	v10 =	vadd.f32 v10, v41  }
0x90: {  	v14 =	vsub.f32 $1.000000000e+00, v14;
	v16 =	vmul.f32 $1.442695020e+00, v16;
	[tilespmem:s8+$0x16800] =	vst v21;
	v21 =	vadd.s32 $0x2800, v12  }
0x91: {  	v6 =	vsub.f32 $1.000000000e+00, v6;
	v24 =	vld.idx.msk [tilespmem:v24+s26+$0x0], $0xffff;
	(erf) = vpow2.f32 v4;
	v10 =	vmul.f32 $1.442695020e+00, v10;
	v4 =	vpop (erf)  }
0x92: {  	v45 =	vadd.s32 $0x5000, v29;
	v18 =	vld.idx.msk [tilespmem:v18+s26+$0x0], $0xffff;
	v4 =	vadd.f32 $5.000000000e-01, v4  }
0x93: {  	[tilespmem:s6+$0x16800] =	vst v6;
	v20 =	vadd.f32 v20, v34;
	(erf) = vpow2.f32 v16;
	v46 =	vpop (erf)  }
0x94: {  	p2 =	por !p2, !p2;
	[tilespmem:s14+$0x16800] =	vst v14;
	v47 =	vld.idx.msk [tilespmem:v44+s26+$0x0], $0xffff;
	v14 =	vpop (erf);
	v6 =	vsub.f32 $1.000000000e+00, v46  }
0x95: {  	s13 =	simm.s32 $0x180;
	s10 =	simm.s32 $0xC0;
	s8 =	simm.s32 $0x1;
	(erf) = vpow2.f32 v10;
	v16 =	vmul.f32 $1.442695020e+00, v20;
	v20 =	vld.idx.msk [tilespmem:v21+s26+$0x0], $0xffff;
	v21 =	vadd.s32 $0xF000, v31;
	v10 =	vpop (erf)  }
0x96: {  	s15 =	sand.u32 $0x1F00, s13;
	v33 =	vld.idx.msk [tilespmem:v43+s26+$0x0], $0xffff;
	s14 =	sand.u32 $0x40, s10;
	s8 =	simm.s32 @!p2 $0x0;
	v14 =	vadd.f32 $5.000000000e-01, v14;
	(erf) = vrcp.f32 v4;
	[tilespmem:s1+$0x16800] =	vst v6;
	v4 =	vpop (erf)  }
0x97: {  	s4 =	sor.u32 s14, s15;
	s2 =	sor.u32 $0x30, s14;
	s21 =	sshll.u32 s8, $0x6;
	v18 =	vadd.f32 v24, v18;
	(erf) = vpow2.f32 v16;
	v16 =	vld.idx.msk [tilespmem:v45+s26+$0x0], $0xffff;
	v6 =	vadd.f32 $5.000000000e-01, v4  }
0x98: {  	s10 =	sor.u32 s15, s2;
	v24 =	vadd.f32 $5.000000000e-01, v10;
	s1 =	sadd.s32 $0x180, s21;
	(erf) = vrcp.f32 v14;
	v4 =	vld [tilespmem:s4+$0x14000];
	[dreg:$0x15] =	wrdreg s2  }
0x99: {  	s22 =	sadd.s32 $0x10, s1;
	v10 =	vld [tilespmem:s10+$0x14000];
	(erf) = vrcp.f32 v6;
	v6 =	vmul.f32 $1.442695020e+00, v18;
	v18 =	vadd.s32 $0xC800, v17  }
0x9a: {  	s6 =	sadd.s32 $0x20, s1;
	s22 =	sor.u32 $0x80, s22;
	(erf) = vrcp.f32 v24;
	v24 =	vld.idx.msk [tilespmem:v21+s26+$0x0], $0xffff  }
0x9b: {  	s8 =	sor.u32 $0x80, s1;
	s2 =	sor.u32 $0x80, s6;
	v48 =	vpop (erf);
	v21 =	vld [tilespmem:s22+$0x14000]  }
0x9c: {  	v14 =	vpop (erf);
	(erf) = vpow2.f32 v6;
	v6 =	vld [tilespmem:s8+$0x14000];
	[smem:$0x7F2] =	sst s2  }
0x9d: {  	v50 =	vadd.f32 $5.000000000e-01, v14;
	v14 =	vld [tilespmem:s2+$0x14000]  }
0x9e: {  	s13 =	sor.u32 $0x10, s14;
	v20 =	vadd.f32 v47, v20;
	v52 =	vld.idx.msk [tilespmem:v18+s26+$0x0], $0xffff;
	[dreg:$0x11] =	wrdreg s14  }
0x9f: {  	v35 =	vadd.f32 $5.000000000e-01, v48;
	s2 =	sor.u32 s15, s13;
	[dreg:$0x17] =	wrdreg s13  }
0xa0: {  	v53 =	vmul.f32 $1.442695020e+00, v20;
	v49 =	vpop (erf);
	(erf) = vrcp.f32 v50;
	[smem:$0x7F3] =	sst s2;
	v24 =	vadd.f32 v24, v16  }
0xa1: {  	s3 =	sor.u32 $0x20, s14;
	v34 =	vadd.f32 $5.000000000e-01, v49;
	v18 =	vpop (erf);
	(erf) = vrcp.f32 v35;
	v20 =	vld [tilespmem:s2+$0x14000];
	[dreg:$0x13] =	wrdreg s15  }
0xa2: {  	s1 =	sadd.s32 $0x30, s1;
	s14 =	sor.u32 s15, s3;
	v54 =	vpop (erf);
	[dreg:$0x18] =	wrdreg s3;
	(erf) = vpow2.f32 v53;
	v43 =	vmul.f32 $1.442695020e+00, v24  }
0xa3: {  	v56 =	vadd.s32 $0x2800, v8;
	s6 =	sor.u32 $0x80, s1;
	[smem:$0x7F4] =	sst s14;
	v41 =	vpop (erf);
	(erf) = vrcp.f32 v34  }
0xa4: {  	v42 =	vadd.s32 $0xC800, v7;
	v16 =	vld [tilespmem:s6+$0x14000];
	v57 =	vpop (erf);
	(erf) = vpow2.f32 v43  }
0xa5: {  	v55 =	vsub.f32 $1.000000000e+00, v18;
	v60 =	vadd.s32 $0xA000, v21;
	v18 =	vld [tilespmem:s14+$0x14000];
	v41 =	vsub.f32 $1.000000000e+00, v41;
	v58 =	vpop (erf)  }
0xa6: {  	v61 =	vadd.s32 $0xA000, v14;
	v33 =	vadd.f32 v52, v33;
	v59 =	vpop (erf)  }
0xa7: {  	[tilespmem:s23+$0x16800] =	vst v41;
	v41 =	vld.idx.msk [tilespmem:v10+s26+$0x0], $0xffff;
	v37 =	vadd.f32 $5.000000000e-01, v59  }
0xa8: {  	v35 =	vld.idx.msk [tilespmem:v56+s26+$0x0], $0xffff;
	v33 =	vmul.f32 $1.442695020e+00, v33  }
0xa9: {  	v36 =	vadd.f32 $5.000000000e-01, v54;
	v42 =	vld.idx.msk [tilespmem:v42+s26+$0x0], $0xffff;
	v62 =	vadd.s32 $0xA000, v16;
	v52 =	vpop (erf);
	(erf) = vrcp.f32 v37  }
0xaa: {  	v38 =	vld.idx.msk [tilespmem:v60+s26+$0x0], $0xffff;
	v48 =	vpop (erf);
	(erf) = vpow2.f32 v33  }
0xab: {  	v32 =	vadd.s32 $0x7800, v32;
	[tilespmem:s7+$0x16800] =	vst v55;
	v54 =	vld.idx.msk [tilespmem:v61+s26+$0x0], $0xffff;
	v55 =	vpop (erf);
	(erf) = vrcp.f32 v36  }
0xac: {  	v51 =	vadd.s32 $0x2800, v1;
	v30 =	vadd.s32 $0x11800, v30;
	v34 =	vsub.f32 $1.000000000e+00, v58;
	v45 =	vld.idx.msk [tilespmem:v20+s26+$0x0], $0xffff;
	v56 =	vpop (erf)  }
0xad: {  	s15 =	sadd.s32 $0x17C00, s29;
	v43 =	vadd.s32 $0x7800, v29;
	v53 =	vsub.f32 $1.000000000e+00, v52;
	v46 =	vld.idx.msk [tilespmem:v18+s26+$0x0], $0xffff;
	v29 =	vadd.f32 $5.000000000e-01, v55;
	v58 =	vpop (erf)  }
0xae: {  	s19 =	smov.u32 s20;
	v44 =	vadd.s32 $0x5000, v15;
	s20 =	sor.u32 s20, s15;
	v35 =	vadd.f32 v42, v35;
	v37 =	vld.idx.msk [tilespmem:v62+s26+$0x0], $0xffff;
	v42 =	vadd.f32 $5.000000000e-01, v58  }
0xaf: {  	v26 =	vadd.s32 $0x7800, v26;
	v40 =	vld.idx.msk [tilespmem:v4+s26+$0x0], $0xffff;
	v47 =	vadd.s32 $0xA000, v6;
	[tilespmem:s20+$0x0] =	vst v53;
	(erf) = vrcp.f32 v29  }
0xb0: {  	v63 =	vsub.f32 $1.000000000e+00, v57;
	v59 =	vadd.s32 $0xF000, v23;
	v32 =	vld.idx.msk [tilespmem:v32+s26+$0x0], $0xffff;
	(erf) = vrcp.f32 v42  }
0xb1: {  	v25 =	vadd.s32 $0x11800, v25;
	v57 =	vadd.s32 $0x2800, v3;
	v30 =	vld.idx.msk [tilespmem:v30+s26+$0x0], $0xffff;
	v38 =	vadd.f32 v38, v45  }
0xb2: {  	v28 =	vadd.s32 $0x11800, v28;
	v27 =	vadd.s32 $0x7800, v27;
	v24 =	vld.idx.msk [tilespmem:v51+s26+$0x0], $0xffff;
	[tilespmem:s0+$0x16800] =	vst v63;
	v48 =	vsub.f32 $1.000000000e+00, v48;
	v60 =	vpop (erf)  }
0xb3: {  	v44 =	vld.idx.msk [tilespmem:v44+s26+$0x0], $0xffff;
	v36 =	vadd.f32 v54, v46;
	v38 =	vmul.f32 $1.442695020e+00, v38;
	v37 =	vadd.f32 v37, v41;
	v62 =	vpop (erf)  }
0xb4: {  	v50 =	vadd.s32 $0xC800, v2;
	[tilespmem:s11+$0x16800] =	vst v34;
	v61 =	vld.idx.msk [tilespmem:v47+s26+$0x0], $0xffff;
	v42 =	vsub.f32 $1.000000000e+00, v60;
	v46 =	vadd.f32 $5.000000000e-01, v62;
	v51 =	vpop (erf)  }
0xb5: {  	s21 =	sor.u32 s24, s15;
	[tilespmem:s12+$0x16800] =	vst v48;
	v34 =	vld.idx.msk [tilespmem:v59+s26+$0x0], $0xffff;
	v36 =	vmul.f32 $1.442695020e+00, v36;
	(erf) = vpow2.f32 v38;
	v38 =	vsub.f32 $1.000000000e+00, v51  }
0xb6: {  	s23 =	sor.u32 s18, s15;
	v33 =	vld.idx.msk [tilespmem:v57+s26+$0x0], $0xffff;
	v30 =	vadd.f32 v30, v32;
	v37 =	vmul.f32 $1.442695020e+00, v37;
	[tilespmem:s21+$0x0] =	vst v42;
	(erf) = vrcp.f32 v46  }
0xb7: {  	v39 =	vsub.f32 $1.000000000e+00, v56;
	s1 =	sld [smem:$0x7F5];
	v56 =	vld.idx.msk [tilespmem:v28+s26+$0x0], $0xffff;
	v28 =	vmul.f32 $1.442695020e+00, v35;
	(erf) = vpow2.f32 v36;
	[tilespmem:s23+$0x0] =	vst v38  }
0xb8: {  	v63 =	vadd.s32 $0x5000, v5;
	v57 =	vpop (erf);
	(erf) = vpow2.f32 v37;
	v32 =	vld.idx.msk [tilespmem:v26+s26+$0x0], $0xffff;
	v26 =	vmul.f32 $1.442695020e+00, v30  }
0xb9: {  	v53 =	vadd.s32 $0xF000, v19;
	v52 =	vld.idx.msk [tilespmem:v50+s26+$0x0], $0xffff;
	v59 =	vsub.f32 $1.000000000e+00, v57;
	(erf) = vpow2.f32 v28;
	v62 =	vpop (erf)  }
0xba: {  	v49 =	vadd.s32 $0x2800, v11;
	[tilespmem:s1+$0x16800] =	vst v39;
	(erf) = vpow2.f32 v26;
	v26 =	vsub.f32 $1.000000000e+00, v62  }
0xbb: {  	s0 =	sor.u32 s9, s15;
	v54 =	vadd.s32 $0x5000, v12;
	v55 =	vld.idx.msk [tilespmem:v27+s26+$0x0], $0xffff;
	[tilespmem:s31+$0x16800] =	vst v59  }
0xbc: {  	v58 =	vadd.f32 v61, v40;
	v27 =	vadd.s32 $0xF000, v13;
	v30 =	vadd.f32 v34, v44;
	v28 =	vld.idx.msk [tilespmem:v25+s26+$0x0], $0xffff;
	[tilespmem:s0+$0x0] =	vst v26  }
0xbd: {  	v31 =	vadd.s32 $0x11800, v31;
	v47 =	vld.idx.msk [tilespmem:v63+s26+$0x0], $0xffff;
	s0 =	sld [smem:$0x7FD]  }
0xbe: {  	v61 =	vmul.f32 $1.442695020e+00, v58;
	v33 =	vadd.f32 v52, v33;
	v60 =	vld.idx.msk [tilespmem:v53+s26+$0x0], $0xffff;
	v25 =	vmul.f32 $1.442695020e+00, v30  }
0xbf: {  	v29 =	vld.idx.msk [tilespmem:v49+s26+$0x0], $0xffff  }
0xc0: {  	v30 =	vmul.f32 $1.442695020e+00, v33;
	v35 =	vld.idx.msk [tilespmem:v54+s26+$0x0], $0xffff;
	(erf) = vpow2.f32 v61;
	s0 =	sor.u32 s0, s28  }
0xc1: {  	v34 =	vadd.s32 $0x5000, v22;
	v27 =	vld.idx.msk [tilespmem:v27+s26+$0x0], $0xffff;
	v63 =	vpop (erf);
	(erf) = vpow2.f32 v25;
	v26 =	vadd.f32 v56, v55;
	[smem:$0x7F6] =	sst s0  }
0xc2: {  	p2 =	por !p2, !p2;
	s3 =	smov.u32 s18;
	v33 =	vadd.s32 $0xC800, v9;
	v38 =	vadd.f32 $5.000000000e-01, v63;
	(erf) = vpow2.f32 v30;
	v25 =	vpop (erf);
	v30 =	vld.idx.msk [tilespmem:v43+s26+$0x0], $0xffff  }
0xc3: {  	s31 =	simm.s32 $0xC;
	s1 =	simm.s32 $0x100;
	v36 =	vmul.f32 $1.442695020e+00, v26;
	v39 =	vadd.f32 v60, v47;
	v37 =	vsub.f32 $1.000000000e+00, v25;
	s0 =	simm.s32 $0x200;
	v31 =	vld.idx.msk [tilespmem:v31+s26+$0x0], $0xffff  }
.LBB2_3:
0xc4: {  	_ = 	snop  }
0xc5: {  	v25 =	vmov v1;
	v1 =	vmov v20;
	v26 =	vpop (erf)  }
0xc6: {  	v42 =	vmul.f32 $1.442695020e+00, v39;
	(erf) = vrcp.f32 v38;
	v20 =	vadd.f32 $5.000000000e-01, v26;
	v26 =	vpop (erf)  }
0xc7: {  	[smem:$0x7EF] =	sst s8;
	v40 =	vadd.s32 $0xF000, v17;
	v48 =	vpop (erf);
	(erf) = vpow2.f32 v36  }
0xc8: {  	[smem:$0x7F0] =	sst s4;
	v46 =	vld.idx.msk [tilespmem:v33+s26+$0x0], $0xffff;
	v47 =	vadd.s32 $0xC800, v0;
	v49 =	vadd.f32 $5.000000000e-01, v48;
	(erf) = vpow2.f32 v42  }
0xc9: {  	[smem:$0x7F1] =	sst s6;
	s2 =	simm.s32 $0x1;
	v33 =	vmov v13;
	v35 =	vadd.f32 v27, v35;
	v50 =	vpop (erf);
	(erf) = vrcp.f32 v20  }
0xca: {  	s5 =	smov.u32 s24;
	s24 =	sand.u32 $0x40, s1;
	v13 =	vmov v9;
	s2 =	simm.s32 @!p2 $0x0;
	v26 =	vadd.f32 $5.000000000e-01, v26;
	v9 =	vpop (erf);
	(erf) = vrcp.f32 v49  }
0xcb: {  	s13 =	sand.u32 $0x1F00, s0;
	v41 =	vadd.f32 v28, v32;
	s15 =	smov.u32 s22;
	v44 =	vmovc v24;
	s2 =	sshll.u32 s2, $0x6;
	v31 =	vadd.f32 v31, v30;
	v20 =	vmul.f32 $1.442695020e+00, v35  }
0xcc: {  	[tilespmem:s25+$0x16800] =	vst v37;
	s8 =	sor.u32 $0x20, s24;
	s6 =	sor.u32 $0x10, s24;
	s2 =	sadd.s32 s2, s0;
	v51 =	vadd.f32 $5.000000000e-01, v50;
	v52 =	vadd.f32 $5.000000000e-01, v9;
	v9 =	vpop (erf);
	(erf) = vrcp.f32 v26  }
0xcd: {  	v34 =	vld.idx.msk [tilespmem:v34+s26+$0x0], $0xffff;
	s21 =	sor.u32 s13, s6;
	s11 =	sadd.s32 $0x10, s2;
	s14 =	sadd.s32 $0x30, s2;
	v29 =	vadd.f32 v46, v29;
	v54 =	vpop (erf);
	v55 =	vadd.f32 $5.000000000e-01, v9;
	(erf) = vpow2.f32 v20  }
0xce: {  	s28 =	sor.u32 $0x80, s11;
	s11 =	sor.u32 $0x80, s14;
	v53 =	vld.idx.msk [tilespmem:v40+s26+$0x0], $0xffff;
	s14 =	rddreg [dreg:$0x19];
	v42 =	vmovc v15;
	v15 =	vmovc v8;
	v8 =	vmov v18;
	v31 =	vmul.f32 $1.442695020e+00, v31;
	(erf) = vrcp.f32 v51  }
0xcf: {  	v41 =	vmul.f32 $1.442695020e+00, v41;
	s20 =	sor.u32 s13, s8;
	s18 =	sadd.s32 $0x20, s2;
	[dreg:$0x19] =	wrdreg s15;
	v37 =	vld.idx.msk [tilespmem:v47+s26+$0x0], $0xffff;
	v45 =	vadd.s32 $0x2800, v8;
	(erf) = vrcp.f32 v55;
	v18 =	vpop (erf)  }
0xd0: {  	s7 =	sor.u32 $0x80, s2;
	s2 =	sor.u32 $0x80, s18;
	s18 =	sld [smem:$0x7F3];
	v27 =	vld [tilespmem:s28+$0x14000];
	v29 =	vmul.f32 $1.442695020e+00, v29;
	(erf) = vpow2.f32 v31;
	v31 =	vadd.s32 $0x11800, v17;
	v17 =	vpop (erf)  }
0xd1: {  	s15 =	sld [smem:$0x7F4];
	s22 =	smov.u32 s28;
	s28 =	smov.u32 s21;
	v9 =	vmov v16;
	v16 =	vld [tilespmem:s11+$0x14000];
	v24 =	vsub.f32 $1.000000000e+00, v18;
	(erf) = vrcp.f32 v52;
	v57 =	vpop (erf)  }
0xd2: {  	s4 =	smov.u32 s10;
	s10 =	sor.u32 $0x30, s24;
	[smem:$0x7F3] =	sst s28;
	v38 =	vadd.f32 $5.000000000e-01, v54;
	v18 =	vld [tilespmem:s20+$0x14000];
	(erf) = vpow2.f32 v41;
	v46 =	vpop (erf)  }
0xd3: {  	v43 =	vadd.s32 $0x2800, v1;
	s23 =	sor.u32 s13, s10;
	v20 =	vld [tilespmem:s21+$0x14000];
	[tilespmem:s18+$0x16800] =	vst v24;
	s18 =	smov.u32 s20;
	s20 =	rddreg [dreg:$0x1f];
	(erf) = vpow2.f32 v29;
	v29 =	vsub.f32 $1.000000000e+00, v46;
	v59 =	vpop (erf)  }
0xd4: {  	v58 =	vadd.s32 $0xC800, v14;
	v28 =	vld [tilespmem:s23+$0x14000];
	[smem:$0x7F4] =	sst s18;
	(erf) = vrcp.f32 v38;
	v38 =	vsub.f32 $1.000000000e+00, v59  }
0xd5: {  	s28 =	smov.u32 s2;
	v26 =	vld [tilespmem:s2+$0x14000];
	v47 =	vpop (erf);
	[tilespmem:s15+$0x16800] =	vst v29;
	s15 =	sld [smem:$0x7F2]  }
0xd6: {  	v60 =	vpop (erf);
	[smem:$0x7F2] =	sst s28;
	v45 =	vld.idx.msk [tilespmem:v45+s26+$0x0], $0xffff;
	[tilespmem:s20+$0x16800] =	vst v38;
	s20 =	sadd.s32 $0x17C80, s29  }
0xd7: {  	v56 =	vadd.f32 v53, v34;
	v62 =	vpop (erf);
	s29 =	smov.u32 s30;
	s30 =	sor.u32 s19, s20;
	s19 =	rddreg [dreg:$0x5]  }
0xd8: {  	s12 =	sor.u32 s24, s13;
	v37 =	vadd.f32 v37, v44;
	v44 =	vadd.s32 $0xA000, v16;
	v24 =	vld.idx.msk [tilespmem:v43+s26+$0x0], $0xffff;
	v54 =	vpop (erf);
	v43 =	vsub.f32 $1.000000000e+00, v62;
	s21 =	smov.u32 s15;
	s15 =	rddreg [dreg:$0xf]  }
0xd9: {  	v41 =	vld.idx.msk [tilespmem:v58+s26+$0x0], $0xffff;
	s28 =	sadd.s32 $0x17C00, s29;
	v52 =	vsub.f32 $1.000000000e+00, v54;
	[dreg:$0x1f] =	wrdreg s21;
	s18 =	smov.u32 s15  }
0xda: {  	v48 =	vmul.f32 $1.442695020e+00, v56;
	v56 =	vld.idx.msk [tilespmem:v18+s26+$0x0], $0xffff;
	s15 =	sor.u32 s9, s20;
	s9 =	smov.u32 s17;
	s17 =	sor.u32 s17, s28;
	[tilespmem:s30+$0x0] =	vst v43  }
0xdb: {  	v29 =	vsub.f32 $1.000000000e+00, v47;
	s21 =	sor.u32 s16, s28;
	s30 =	sor.u32 s3, s20;
	[tilespmem:s17+$0x0] =	vst v52;
	s17 =	rddreg [dreg:$0x7]  }
0xdc: {  	v40 =	vadd.s32 $0xA000, v27;
	v36 =	vld.idx.msk [tilespmem:v28+s26+$0x0], $0xffff;
	s3 =	smov.u32 s16;
	s16 =	smov.u32 s17;
	s17 =	rddreg [dreg:$0x11]  }
0xdd: {  	v44 =	vld.idx.msk [tilespmem:v44+s26+$0x0], $0xffff;
	[tilespmem:s4+$0x16800] =	vst v29;
	s4 =	rddreg [dreg:$0xd];
	s20 =	sor.u32 s5, s20;
	s5 =	smov.u32 s17  }
0xde: {  	v32 =	vld [tilespmem:s12+$0x14000];
	v50 =	vadd.f32 $5.000000000e-01, v60;
	s17 =	smov.u32 s24;
	[dreg:$0x7] =	wrdreg s5  }
0xdf: {  	v30 =	vld [tilespmem:s7+$0x14000];
	(erf) = vpow2.f32 v48;
	[dreg:$0x11] =	wrdreg s17  }
0xe0: {  	v63 =	vadd.s32 $0x5000, v15;
	v61 =	vadd.f32 $5.000000000e-01, v57;
	(erf) = vrcp.f32 v50;
	s5 =	rddreg [dreg:$0x13]  }
0xe1: {  	v22 =	vadd.s32 $0x7800, v22;
	v23 =	vadd.s32 $0x11800, v23;
	v37 =	vmul.f32 $1.442695020e+00, v37;
	v40 =	vld.idx.msk [tilespmem:v40+s26+$0x0], $0xffff;
	v55 =	vpop (erf);
	s17 =	rddreg [dreg:$0xa]  }
0xe2: {  	v19 =	vadd.s32 $0x11800, v19;
	v17 =	vadd.f32 $5.000000000e-01, v17;
	v46 =	vadd.s32 $0xA000, v26;
	v49 =	vld.idx.msk [tilespmem:v20+s26+$0x0], $0xffff;
	v51 =	vpop (erf);
	s24 =	smov.u32 s5;
	s5 =	rddreg [dreg:$0x15]  }
0xe3: {  	v57 =	vadd.s32 $0x7800, v42;
	s2 =	sor.u32 s19, s28;
	(erf) = vpow2.f32 v37;
	v39 =	vadd.f32 $5.000000000e-01, v55;
	v59 =	vpop (erf);
	[dreg:$0xf] =	wrdreg s24;
	s24 =	smov.u32 s13  }
0xe4: {  	v33 =	vadd.s32 $0x11800, v33;
	v35 =	vadd.s32 $0xA000, v30;
	(erf) = vrcp.f32 v61;
	v61 =	vpop (erf);
	[dreg:$0x13] =	wrdreg s24;
	s24 =	smov.u32 s19;
	s19 =	smov.u32 s17  }
0xe5: {  	v60 =	vadd.s32 $0x2800, v4;
	v58 =	vadd.s32 $0x2800, v10;
	(erf) = vrcp.f32 v39;
	v47 =	vld.idx.msk [tilespmem:v63+s26+$0x0], $0xffff;
	v63 =	vpop (erf);
	[dreg:$0x5] =	wrdreg s19  }
0xe6: {  	v34 =	vld.idx.msk [tilespmem:v32+s26+$0x0], $0xffff;
	v38 =	vadd.f32 $5.000000000e-01, v59;
	(erf) = vrcp.f32 v17;
	v17 =	vmovc v0;
	v0 =	vmovc v21;
	v21 =	vadd.s32 $0xF000, v7;
	s19 =	smov.u32 s10;
	s10 =	rddreg [dreg:$0x18]  }
0xe7: {  	v40 =	vadd.f32 v40, v49;
	v55 =	vadd.s32 $0x7800, v12;
	v43 =	vld.idx.msk [tilespmem:v46+s26+$0x0], $0xffff;
	v48 =	vadd.f32 $5.000000000e-01, v61;
	[dreg:$0x15] =	wrdreg s19  }
0xe8: {  	v62 =	vsub.f32 $1.000000000e+00, v51;
	v37 =	vld.idx.msk [tilespmem:v57+s26+$0x0], $0xffff;
	(erf) = vrcp.f32 v38;
	v38 =	vadd.s32 $0x7800, v5;
	v5 =	vpop (erf);
	s19 =	smov.u32 s9;
	s9 =	rddreg [dreg:$0x1d];
	s13 =	smov.u32 s10  }
0xe9: {  	v36 =	vadd.f32 v44, v36;
	v23 =	vld.idx.msk [tilespmem:v23+s26+$0x0], $0xffff;
	v52 =	vsub.f32 $1.000000000e+00, v63;
	(erf) = vrcp.f32 v48;
	v57 =	vpop (erf);
	[dreg:$0xd] =	wrdreg s13  }
0xea: {  	v53 =	vadd.s32 $0xC800, v6;
	v29 =	vld.idx.msk [tilespmem:v58+s26+$0x0], $0xffff;
	v54 =	vadd.f32 $5.000000000e-01, v5;
	v59 =	vsub.f32 $1.000000000e+00, v57;
	s13 =	sld [smem:$0x7F0]  }
0xeb: {  	v12 =	vmovc v11;
	v40 =	vmul.f32 $1.442695020e+00, v40;
	v41 =	vadd.f32 v41, v45;
	v36 =	vmul.f32 $1.442695020e+00, v36;
	v21 =	vld.idx.msk [tilespmem:v21+s26+$0x0], $0xffff;
	[tilespmem:s9+$0x16800] =	vst v52  }
0xec: {  	v5 =	vmovc v3;
	v3 =	vmov v4;
	v56 =	vadd.f32 v43, v56;
	(erf) = vrcp.f32 v54;
	v11 =	vld.idx.msk [tilespmem:v35+s26+$0x0], $0xffff;
	[tilespmem:s2+$0x0] =	vst v59  }
0xed: {  	v4 =	vmov v32;
	v41 =	vmul.f32 $1.442695020e+00, v41;
	s17 =	smov.u32 s5;
	v43 =	vadd.s32 $0x5000, v5;
	v58 =	vpop (erf);
	v52 =	vld.idx.msk [tilespmem:v55+s26+$0x0], $0xffff;
	[tilespmem:s13+$0x16800] =	vst v62  }
0xee: {  	v23 =	vadd.f32 v23, v37;
	[dreg:$0xa] =	wrdreg s17;
	v32 =	vmul.f32 $1.442695020e+00, v56;
	v61 =	vpop (erf);
	v42 =	vld.idx.msk [tilespmem:v60+s26+$0x0], $0xffff;
	v60 =	vadd.f32 $5.000000000e-01, v58  }
0xef: {  	s17 =	smov.u32 s4;
	s4 =	smov.u32 s8;
	s8 =	sld [smem:$0x7EF];
	(erf) = vpow2.f32 v40;
	v63 =	vsub.f32 $1.000000000e+00, v61;
	v51 =	vpop (erf);
	v55 =	vld.idx.msk [tilespmem:v33+s26+$0x0], $0xffff;
	v62 =	vadd.s32 $0xF000, v2  }
0xf0: {  	s25 =	smov.u32 s14;
	s14 =	rddreg [dreg:$0x4];
	v54 =	vadd.s32 $0xF000, v13;
	v23 =	vmul.f32 $1.442695020e+00, v23;
	v40 =	vld.idx.msk [tilespmem:v53+s26+$0x0], $0xffff;
	v53 =	vpop (erf);
	(erf) = vrcp.f32 v60  }
0xf1: {  	[dreg:$0x18] =	wrdreg s4;
	v35 =	vadd.s32 $0x5000, v12;
	v39 =	vsub.f32 $1.000000000e+00, v51;
	[tilespmem:s21+$0x0] =	vst v63;
	v56 =	vsub.f32 $1.000000000e+00, v53;
	v57 =	vpop (erf)  }
0xf2: {  	s4 =	smov.u32 s12;
	s12 =	rddreg [dreg:$0x17];
	s9 =	smov.u32 s8;
	v33 =	vadd.s32 $0xC800, v9;
	v43 =	vld.idx.msk [tilespmem:v43+s26+$0x0], $0xffff;
	v58 =	vpop (erf);
	v45 =	vsub.f32 $1.000000000e+00, v57;
	v34 =	vadd.f32 v11, v34  }
0xf3: {  	s31 =	sadd.s32 $0x4, s31;
	s1 =	sadd.s32 $0x40, s1;
	[dreg:$0x1d] =	wrdreg s9;
	v11 =	vmovc v10;
	v60 =	vadd.f32 v21, v47;
	(erf) = vpow2.f32 v32;
	v32 =	vld.idx.msk [tilespmem:v38+s26+$0x0], $0xffff;
	v61 =	vsub.f32 $1.000000000e+00, v58  }
0xf4: {  	s28 =	sor.u32 s14, s28;
	s9 =	smov.u32 s14;
	s14 =	rddreg [dreg:$0xb];
	v10 =	vmovc v28;
	v37 =	vadd.f32 v55, v52;
	(erf) = vpow2.f32 v36;
	v59 =	vld.idx.msk [tilespmem:v62+s26+$0x0], $0xffff;
	[tilespmem:s30+$0x0] =	vst v45;
	v34 =	vmul.f32 $1.442695020e+00, v34  }
0xf5: {  	p3 =	slt.u32 s31, $0x9C;
	s10 =	smov.u32 s23;
	[tilespmem:s20+$0x0] =	vst v56;
	s20 =	rddreg [dreg:$0x1c];
	(erf) = vpow2.f32 v41;
	v62 =	vadd.f32 v40, v42;
	v28 =	vld.idx.msk [tilespmem:v19+s26+$0x0], $0xffff;
	v19 =	vpop (erf);
	v41 =	vmul.f32 $1.442695020e+00, v60  }
.Ltmp4:
0xf6: {  	s23 =	smov.u32 s14;
	s21 =	sld [smem:$0x7F1];
	[tilespmem:s20+$0x16800] =	vst v61;
	v36 =	vmul.f32 $1.442695020e+00, v37;
	(erf) = vpow2.f32 v23;
	v63 =	vsub.f32 $1.000000000e+00, v19;
	(pc) =	sbr.rel @p3 .LBB2_3-.Ltmp4, $4  }
0xf7: {  	p2 =	por !p2, !p2;
	s13 =	smov.u32 s12;
	[dreg:$0x4] =	wrdreg s23;
	[tilespmem:s15+$0x0] =	vst v39;
	v21 =	vmovc v27;
	v19 =	vmovc v2;
	v27 =	vld.idx.msk [tilespmem:v54+s26+$0x0], $0xffff;
	v2 =	vmov v6;
	(erf) = vpow2.f32 v34;
	v40 =	vmul.f32 $1.442695020e+00, v62  }
0xf8: {  	s0 =	sadd.s32 $0x80, s0;
	s14 =	smov.u32 s6;
	[dreg:$0xb] =	wrdreg s13;
	v6 =	vmov v30;
	v30 =	vpop (erf);
	v35 =	vld.idx.msk [tilespmem:v35+s26+$0x0], $0xffff;
	v23 =	vmov v7;
	(erf) = vpow2.f32 v41;
	[tilespmem:s28+$0x0] =	vst v63  }
0xf9: {  	s8 =	smov.u32 s7;
	[dreg:$0x17] =	wrdreg s14;
	s23 =	smov.u32 s21;
	v34 =	vadd.s32 $0x5000, v25;
	v38 =	vadd.f32 $5.000000000e-01, v30;
	(erf) = vpow2.f32 v40;
	v30 =	vld.idx.msk [tilespmem:v22+s26+$0x0], $0xffff;
	v7 =	vpop (erf)  }
0xfa: {  	s6 =	smov.u32 s11;
	s30 =	smov.u32 s18;
	[dreg:$0x1c] =	wrdreg s23;
	v39 =	vadd.f32 v59, v43;
	v31 =	vld.idx.msk [tilespmem:v31+s26+$0x0], $0xffff;
	v22 =	vmovc v25;
	v37 =	vsub.f32 $1.000000000e+00, v7;
	v7 =	vmovc v14;
	v14 =	vmov v26  }
0xfb: {  	_ = 	snop  }
0xfc: {  	v25 =	vpop (erf)  }
0xfd: {  	(erf) = vrcp.f32 v38;
	v61 =	vmul.f32 $1.442695020e+00, v39;
	v26 =	vpop (erf)  }
0xfe: {  	v62 =	vadd.s32 $0xF000, v17;
	v25 =	vadd.f32 $5.000000000e-01, v25;
	v40 =	vpop (erf);
	(erf) = vpow2.f32 v36  }
0xff: {  	v27 =	vadd.f32 v27, v35;
	v63 =	vadd.f32 $5.000000000e-01, v40;
	(erf) = vpow2.f32 v61  }
0x100: {  	v33 =	vld.idx.msk [tilespmem:v33+s26+$0x0], $0xffff;
	v26 =	vadd.f32 $5.000000000e-01, v26;
	v40 =	vpop (erf);
	(erf) = vrcp.f32 v25  }
0x101: {  	v41 =	vadd.s32 $0xC800, v0;
	[tilespmem:s25+$0x16800] =	vst v37;
	v27 =	vmul.f32 $1.442695020e+00, v27;
	v42 =	vpop (erf);
	(erf) = vrcp.f32 v63  }
0x102: {  	v44 =	vld.idx.msk [tilespmem:v34+s26+$0x0], $0xffff;
	v30 =	vadd.f32 v31, v30;
	v35 =	vadd.f32 $5.000000000e-01, v40;
	v43 =	vpop (erf);
	(erf) = vrcp.f32 v26  }
0x103: {  	v46 =	vld.idx.msk [tilespmem:v62+s26+$0x0], $0xffff;
	v26 =	vadd.f32 $5.000000000e-01, v43;
	(erf) = vpow2.f32 v27  }
0x104: {  	v45 =	vadd.f32 v28, v32;
	v30 =	vmul.f32 $1.442695020e+00, v30;
	(erf) = vrcp.f32 v35  }
0x105: {  	v29 =	vadd.f32 v33, v29;
	v47 =	vadd.f32 $5.000000000e-01, v42;
	v48 =	vpop (erf);
	(erf) = vrcp.f32 v26  }
0x106: {  	v49 =	vmul.f32 $1.442695020e+00, v45;
	v25 =	vpop (erf);
	(erf) = vpow2.f32 v30  }
0x107: {  	v50 =	vld.idx.msk [tilespmem:v41+s26+$0x0], $0xffff;
	v29 =	vmul.f32 $1.442695020e+00, v29;
	(erf) = vrcp.f32 v47;
	v51 =	vpop (erf)  }
0x108: {  	v53 =	vadd.f32 v46, v44;
	v52 =	vpop (erf);
	(erf) = vpow2.f32 v49  }
0x109: {  	v55 =	vadd.f32 $5.000000000e-01, v48;
	v54 =	vpop (erf);
	(erf) = vpow2.f32 v29  }
0x10a: {  	v26 =	vmul.f32 $1.442695020e+00, v53;
	v56 =	vpop (erf)  }
0x10b: {  	(erf) = vrcp.f32 v55;
	v33 =	vpop (erf)  }
0x10c: {  	v27 =	vadd.f32 v50, v24;
	v57 =	vpop (erf);
	(erf) = vpow2.f32 v26  }
0x10d: {  	v58 =	vadd.f32 $5.000000000e-01, v57;
	v24 =	vpop (erf)  }
0x10e: {  	v60 =	vadd.s32 $0x2800, v18;
	v15 =	vadd.s32 $0x7800, v15;
	v27 =	vmul.f32 $1.442695020e+00, v27;
	v59 =	vpop (erf)  }
0x10f: {  	v62 =	vadd.s32 $0xC800, v14;
	v32 =	vadd.f32 $5.000000000e-01, v52;
	(erf) = vrcp.f32 v58;
	v61 =	vpop (erf)  }
0x110: {  	s0 =	sld [smem:$0x7F4];
	v41 =	vadd.f32 $5.000000000e-01, v51;
	v63 =	vpop (erf);
	(erf) = vpow2.f32 v27;
	v26 =	vadd.f32 $5.000000000e-01, v61  }
0x111: {  	v49 =	vadd.s32 $0xF000, v7;
	v40 =	vsub.f32 $1.000000000e+00, v54;
	(erf) = vrcp.f32 v32;
	v42 =	vpop (erf)  }
0x112: {  	v23 =	vadd.s32 $0x11800, v23;
	v44 =	vpop (erf);
	v30 =	vadd.f32 $5.000000000e-01, v42;
	(erf) = vrcp.f32 v26  }
0x113: {  	v46 =	vsub.f32 $1.000000000e+00, v56;
	[tilespmem:s0+$0x16800] =	vst v40;
	v45 =	vadd.f32 $5.000000000e-01, v44;
	(erf) = vrcp.f32 v41  }
0x114: {  	s15 =	sadd.s32 $0x17C00, s30;
	v43 =	vadd.s32 $0x5000, v8;
	v47 =	vld.idx.msk [tilespmem:v60+s26+$0x0], $0xffff;
	s1 =	rddreg [dreg:$0x1f];
	v29 =	vsub.f32 $1.000000000e+00, v59;
	v48 =	vpop (erf);
	(erf) = vrcp.f32 v30  }
0x115: {  	s18 =	sor.u32 s17, s15;
	v50 =	vld.idx.msk [tilespmem:v62+s26+$0x0], $0xffff;
	[tilespmem:s1+$0x16800] =	vst v46;
	(erf) = vrcp.f32 v45;
	v51 =	vpop (erf)  }
0x116: {  	v52 =	vadd.s32 $0x2800, v4;
	v31 =	vld.idx.msk [tilespmem:v49+s26+$0x0], $0xffff;
	[tilespmem:s18+$0x0] =	vst v29;
	v27 =	vadd.f32 $5.000000000e-01, v51  }
0x117: {  	v54 =	vadd.s32 $0xC800, v6;
	v36 =	vsub.f32 $1.000000000e+00, v63;
	v53 =	vld.idx.msk [tilespmem:v15+s26+$0x0], $0xffff  }
0x118: {  	v56 =	vadd.s32 $0x7800, v12;
	v23 =	vld.idx.msk [tilespmem:v23+s26+$0x0], $0xffff;
	v55 =	vpop (erf);
	(erf) = vrcp.f32 v27  }
0x119: {  	v58 =	vadd.s32 $0x11800, v13;
	v32 =	vld.idx.msk [tilespmem:v43+s26+$0x0], $0xffff;
	[tilespmem:s4+$0x16800] =	vst v36;
	v57 =	vpop (erf)  }
0x11a: {  	v60 =	vadd.s32 $0x5000, v3;
	s5 =	rddreg [dreg:$0x5];
	v35 =	vsub.f32 $1.000000000e+00, v55;
	v59 =	vpop (erf)  }
0x11b: {  	v33 =	vsub.f32 $1.000000000e+00, v33;
	v61 =	vadd.s32 $0xF000, v2;
	v26 =	vadd.f32 v50, v47;
	v29 =	vld.idx.msk [tilespmem:v52+s26+$0x0], $0xffff;
	s20 =	sor.u32 s5, s15;
	v12 =	vpop (erf)  }
0x11c: {  	v46 =	vadd.s32 $0x2800, v10;
	v30 =	vsub.f32 $1.000000000e+00, v48;
	v62 =	vld.idx.msk [tilespmem:v54+s26+$0x0], $0xffff;
	v27 =	vadd.f32 $5.000000000e-01, v57;
	[tilespmem:s20+$0x0] =	vst v35;
	v13 =	vpop (erf)  }
0x11d: {  	v63 =	vadd.s32 $0xF000, v9;
	v26 =	vmul.f32 $1.442695020e+00, v26;
	v23 =	vadd.f32 v23, v53;
	v37 =	vld.idx.msk [tilespmem:v56+s26+$0x0], $0xffff;
	s1 =	rddreg [dreg:$0x1d];
	v15 =	vpop (erf)  }
0x11e: {  	v41 =	vadd.s32 $0x5000, v11;
	v44 =	vadd.f32 v31, v32;
	(erf) = vrcp.f32 v27;
	v43 =	vld.idx.msk [tilespmem:v58+s26+$0x0], $0xffff;
	[tilespmem:s1+$0x16800] =	vst v30;
	v42 =	vpop (erf)  }
0x11f: {  	v23 =	vmul.f32 $1.442695020e+00, v23;
	(erf) = vpow2.f32 v26;
	v28 =	vld.idx.msk [tilespmem:v60+s26+$0x0], $0xffff;
	v45 =	vsub.f32 $1.000000000e+00, v42  }
0x120: {  	v22 =	vadd.s32 $0x7800, v22;
	v26 =	vmul.f32 $1.442695020e+00, v44;
	s1 =	rddreg [dreg:$0x1c];
	v48 =	vld.idx.msk [tilespmem:v61+s26+$0x0], $0xffff;
	[tilespmem:s10+$0x16800] =	vst v33  }
0x121: {  	v47 =	vadd.s32 $0x11800, v17;
	(erf) = vpow2.f32 v23;
	[tilespmem:s1+$0x16800] =	vst v45;
	v49 =	vpop (erf)  }
0x122: {  	v5 =	vadd.s32 $0x7800, v5;
	(erf) = vpow2.f32 v26;
	v50 =	vld.idx.msk [tilespmem:v63+s26+$0x0], $0xffff;
	v34 =	vsub.f32 $1.000000000e+00, v49;
	s2 =	rddreg [dreg:$0x4]  }
0x123: {  	v19 =	vadd.s32 $0x11800, v19;
	v29 =	vadd.f32 v62, v29;
	v27 =	vld.idx.msk [tilespmem:v41+s26+$0x0], $0xffff;
	s21 =	sor.u32 s2, s15  }
0x124: {  	v52 =	vadd.s32 $0xC800, v16;
	v51 =	vsub.f32 $1.000000000e+00, v59;
	v32 =	vld.idx.msk [tilespmem:v46+s26+$0x0], $0xffff;
	v30 =	vadd.f32 v43, v37;
	[tilespmem:s21+$0x0] =	vst v34  }
0x125: {  	s0 =	sor.u32 s16, s15;
	v29 =	vmul.f32 $1.442695020e+00, v29;
	v28 =	vadd.f32 v48, v28;
	v22 =	vld.idx.msk [tilespmem:v22+s26+$0x0], $0xffff  }
0x126: {  	[tilespmem:s0+$0x0] =	vst v51;
	v30 =	vmul.f32 $1.442695020e+00, v30;
	v17 =	vld.idx.msk [tilespmem:v47+s26+$0x0], $0xffff  }
0x127: {  	v53 =	vadd.s32 $0x5000, v1;
	(erf) = vpow2.f32 v29;
	v5 =	vld.idx.msk [tilespmem:v5+s26+$0x0], $0xffff;
	v54 =	vpop (erf);
	v28 =	vmul.f32 $1.442695020e+00, v28  }
0x128: {  	v19 =	vld.idx.msk [tilespmem:v19+s26+$0x0], $0xffff;
	(erf) = vpow2.f32 v30;
	v56 =	vpop (erf);
	v57 =	vsub.f32 $1.000000000e+00, v54;
	v23 =	vadd.f32 v50, v27  }
0x129: {  	v55 =	vadd.s32 $0xF000, v0;
	v33 =	vld.idx.msk [tilespmem:v52+s26+$0x0], $0xffff;
	s0 =	rddreg [dreg:$0x19];
	v58 =	vadd.f32 $5.000000000e-01, v56;
	(erf) = vpow2.f32 v28  }
0x12a: {  	v59 =	vadd.s32 $0x2800, v20;
	v60 =	vadd.s32 $0xC800, v21;
	v61 =	vpop (erf);
	[tilespmem:s0+$0x16800] =	vst v57;
	v23 =	vmul.f32 $1.442695020e+00, v23  }
0x12b: {  	v28 =	vadd.f32 $5.000000000e-01, v61;
	v62 =	vpop (erf);
	(erf) = vrcp.f32 v58;
	s0 =	sld [smem:$0x7F3];
	v17 =	vadd.f32 v17, v22  }
0x12c: {  	v25 =	vsub.f32 $1.000000000e+00, v25;
	v29 =	vadd.f32 $5.000000000e-01, v62;
	(erf) = vpow2.f32 v23  }
0x12d: {  	v5 =	vadd.f32 v19, v5;
	v26 =	vld.idx.msk [tilespmem:v53+s26+$0x0], $0xffff;
	v17 =	vmul.f32 $1.442695020e+00, v17;
	(erf) = vrcp.f32 v28  }
0x12e: {  	v31 =	vadd.f32 v33, v32;
	v63 =	vld.idx.msk [tilespmem:v55+s26+$0x0], $0xffff;
	[tilespmem:s0+$0x16800] =	vst v25;
	(erf) = vrcp.f32 v29  }
0x12f: {  	v5 =	vmul.f32 $1.442695020e+00, v5;
	v30 =	vld.idx.msk [tilespmem:v59+s26+$0x0], $0xffff;
	(erf) = vpow2.f32 v17  }
0x130: {  	v33 =	vpop (erf);
	v25 =	vmul.f32 $1.442695020e+00, v31;
	v32 =	vld.idx.msk [tilespmem:v60+s26+$0x0], $0xffff  }
0x131: {  	v34 =	vpop (erf);
	(erf) = vpow2.f32 v5  }
0x132: {  	v35 =	vadd.f32 $5.000000000e-01, v33;
	v36 =	vpop (erf);
	(erf) = vpow2.f32 v25  }
0x133: {  	v22 =	vadd.f32 v63, v26  }
0x134: {  	v37 =	vpop (erf);
	(erf) = vrcp.f32 v35  }
0x135: {  	v22 =	vmul.f32 $1.442695020e+00, v22;
	v38 =	vadd.f32 v32, v30;
	v39 =	vpop (erf)  }
0x136: {  	v19 =	vadd.f32 $5.000000000e-01, v39;
	v5 =	vpop (erf)  }
0x137: {  	(erf) = vpow2.f32 v22;
	v40 =	vmul.f32 $1.442695020e+00, v38;
	v41 =	vpop (erf)  }
0x138: {  	v17 =	vadd.f32 $5.000000000e-01, v36;
	(erf) = vrcp.f32 v19;
	v42 =	vpop (erf)  }
0x139: {  	(erf) = vpow2.f32 v40;
	v19 =	vadd.f32 $5.000000000e-01, v42  }
0x13a: {  	v45 =	vadd.f32 $5.000000000e-01, v34;
	v46 =	vpop (erf);
	(erf) = vrcp.f32 v17  }
0x13b: {  	v48 =	vpop (erf);
	v17 =	vadd.f32 $5.000000000e-01, v46;
	(erf) = vrcp.f32 v19  }
0x13c: {  	s1 =	sld [smem:$0x7F2];
	v50 =	vadd.f32 $5.000000000e-01, v48;
	(erf) = vrcp.f32 v45  }
0x13d: {  	v44 =	vadd.s32 $0x5000, v18;
	v43 =	vsub.f32 $1.000000000e+00, v37;
	v51 =	vpop (erf);
	(erf) = vrcp.f32 v17  }
0x13e: {  	v47 =	vadd.s32 $0x7800, v8;
	(erf) = vrcp.f32 v50  }
0x13f: {  	v49 =	vadd.s32 $0x11800, v7;
	s11 =	rddreg [dreg:$0xf];
	[tilespmem:s1+$0x16800] =	vst v43  }
0x140: {  	v52 =	vadd.s32 $0xF000, v14;
	s23 =	sadd.s32 $0x17C00, s11;
	s10 =	rddreg [dreg:$0xd];
	v23 =	vsub.f32 $1.000000000e+00, v41;
	v53 =	vpop (erf)  }
0x141: {  	s25 =	sor.u32 s10, s23;
	v54 =	vpop (erf)  }
0x142: {  	v22 =	vld.idx.msk [tilespmem:v44+s26+$0x0], $0xffff;
	[tilespmem:s25+$0x0] =	vst v23;
	v19 =	vadd.f32 $5.000000000e-01, v53;
	v56 =	vpop (erf)  }
0x143: {  	v23 =	vld.idx.msk [tilespmem:v47+s26+$0x0], $0xffff;
	v60 =	vpop (erf)  }
0x144: {  	v55 =	vld.idx.msk [tilespmem:v49+s26+$0x0], $0xffff;
	(erf) = vrcp.f32 v19;
	v7 =	vpop (erf)  }
0x145: {  	v61 =	vadd.s32 $0x5000, v4;
	v17 =	vld.idx.msk [tilespmem:v52+s26+$0x0], $0xffff;
	v58 =	vadd.f32 $5.000000000e-01, v56;
	v8 =	vpop (erf)  }
0x146: {  	v59 =	vadd.s32 $0x11800, v9;
	v63 =	vadd.s32 $0xF000, v6;
	v26 =	vsub.f32 $1.000000000e+00, v51;
	v9 =	vpop (erf)  }
0x147: {  	v57 =	vadd.s32 $0x7800, v11;
	s7 =	rddreg [dreg:$0xa];
	v62 =	vsub.f32 $1.000000000e+00, v54;
	(erf) = vrcp.f32 v58;
	v35 =	vpop (erf)  }
0x148: {  	s28 =	sor.u32 s7, s23;
	[tilespmem:s8+$0x16800] =	vst v26;
	v38 =	vsub.f32 $1.000000000e+00, v35  }
0x149: {  	v33 =	vadd.s32 $0xF000, v16;
	v23 =	vadd.f32 v55, v23;
	[tilespmem:s28+$0x0] =	vst v62  }
0x14a: {  	v34 =	vadd.s32 $0x5000, v10;
	v40 =	vld.idx.msk [tilespmem:v61+s26+$0x0], $0xffff;
	v17 =	vadd.f32 v17, v22;
	[tilespmem:s6+$0x16800] =	vst v38  }
0x14b: {  	v36 =	vadd.s32 $0x7800, v3;
	v19 =	vld.idx.msk [tilespmem:v63+s26+$0x0], $0xffff;
	v23 =	vmul.f32 $1.442695020e+00, v23;
	v28 =	vsub.f32 $1.000000000e+00, v60;
	s6 =	rddreg [dreg:$0x7]  }
0x14c: {  	v39 =	vadd.s32 $0x7800, v1;
	v17 =	vmul.f32 $1.442695020e+00, v17;
	v11 =	vld.idx.msk [tilespmem:v57+s26+$0x0], $0xffff;
	s31 =	sor.u32 s6, s23  }
0x14d: {  	v41 =	vadd.s32 $0x11800, v0;
	v37 =	vld.idx.msk [tilespmem:v59+s26+$0x0], $0xffff;
	(erf) = vpow2.f32 v23;
	v42 =	vpop (erf);
	[tilespmem:s31+$0x0] =	vst v28  }
0x14e: {  	v43 =	vadd.s32 $0x11800, v2;
	(erf) = vpow2.f32 v17;
	v44 =	vsub.f32 $1.000000000e+00, v42;
	v26 =	vld.idx.msk [tilespmem:v33+s26+$0x0], $0xffff;
	s8 =	rddreg [dreg:$0xb]  }
0x14f: {  	v45 =	vadd.s32 $0x5000, v20;
	v25 =	vld.idx.msk [tilespmem:v34+s26+$0x0], $0xffff;
	s0 =	sor.u32 s8, s23  }
0x150: {  	v47 =	vadd.s32 $0xF000, v21;
	v3 =	vld.idx.msk [tilespmem:v36+s26+$0x0], $0xffff;
	v46 =	vpop (erf);
	[tilespmem:s0+$0x0] =	vst v44  }
0x151: {  	v23 =	vsub.f32 $1.000000000e+00, v46;
	v1 =	vld.idx.msk [tilespmem:v39+s26+$0x0], $0xffff  }
0x152: {  	v11 =	vadd.f32 v37, v11;
	v0 =	vld.idx.msk [tilespmem:v41+s26+$0x0], $0xffff  }
0x153: {  	v19 =	vadd.f32 v19, v40;
	v2 =	vld.idx.msk [tilespmem:v43+s26+$0x0], $0xffff;
	[tilespmem:s22+$0x16800] =	vst v23  }
0x154: {  	v11 =	vmul.f32 $1.442695020e+00, v11;
	v48 =	vadd.f32 v26, v25;
	v17 =	vld.idx.msk [tilespmem:v45+s26+$0x0], $0xffff  }
0x155: {  	v19 =	vmul.f32 $1.442695020e+00, v19;
	v23 =	vld.idx.msk [tilespmem:v47+s26+$0x0], $0xffff  }
0x156: {  	(erf) = vpow2.f32 v11;
	v49 =	vpop (erf);
	v22 =	vmul.f32 $1.442695020e+00, v48  }
0x157: {  	(erf) = vpow2.f32 v19;
	v11 =	vadd.f32 $5.000000000e-01, v49;
	v50 =	vpop (erf);
	v0 =	vadd.f32 v0, v1  }
0x158: {  	v51 =	vadd.f32 $5.000000000e-01, v50;
	(erf) = vpow2.f32 v22  }
0x159: {  	v2 =	vadd.f32 v2, v3;
	(erf) = vrcp.f32 v11;
	v0 =	vmul.f32 $1.442695020e+00, v0  }
0x15a: {  	(erf) = vrcp.f32 v51;
	v52 =	vadd.f32 v23, v17  }
0x15b: {  	v2 =	vmul.f32 $1.442695020e+00, v2;
	(erf) = vpow2.f32 v0  }
0x15c: {  	v53 =	vmul.f32 $1.442695020e+00, v52  }
0x15d: {  	(erf) = vpow2.f32 v2  }
0x15e: {  	(erf) = vpow2.f32 v53  }
0x15f: {  	v54 =	vpop (erf)  }
0x160: {  	v55 =	vpop (erf)  }
0x161: {  	v56 =	vpop (erf)  }
0x162: {  	v57 =	vpop (erf)  }
0x163: {  	v2 =	vadd.f32 $5.000000000e-01, v56;
	v58 =	vpop (erf)  }
0x164: {  	v1 =	vadd.f32 $5.000000000e-01, v55;
	v59 =	vpop (erf)  }
0x165: {  	v60 =	vadd.s32 $0x7800, v18;
	(erf) = vrcp.f32 v2;
	v17 =	vadd.f32 $5.000000000e-01, v59  }
0x166: {  	v61 =	vadd.s32 $0x11800, v14;
	s13 =	rddreg [dreg:$0x13];
	v0 =	vadd.f32 $5.000000000e-01, v54;
	(erf) = vrcp.f32 v1;
	v62 =	vpop (erf)  }
0x167: {  	s18 =	rddreg [dreg:$0x18];
	s4 =	sadd.s32 $0x17C00, s13;
	v11 =	vsub.f32 $1.000000000e+00, v58;
	v1 =	vadd.f32 $5.000000000e-01, v62;
	v63 =	vpop (erf);
	(erf) = vrcp.f32 v17  }
0x168: {  	s20 =	sor.u32 s18, s4;
	v18 =	vadd.f32 $5.000000000e-01, v63;
	(erf) = vrcp.f32 v0  }
0x169: {  	[tilespmem:s20+$0x0] =	vst v11;
	(erf) = vrcp.f32 v1  }
0x16a: {  	v19 =	vld.idx.msk [tilespmem:v60+s26+$0x0], $0xffff;
	(erf) = vrcp.f32 v18  }
0x16b: {  	v22 =	vld.idx.msk [tilespmem:v61+s26+$0x0], $0xffff;
	_ =	sdelay $0x2  }
0x16c: {  	v23 =	vpop (erf)  }
0x16d: {  	v25 =	vpop (erf)  }
0x16e: {  	v26 =	vadd.s32 $0x7800, v10;
	v0 =	vadd.f32 v22, v19;
	v27 =	vpop (erf)  }
0x16f: {  	v28 =	vadd.s32 $0x11800, v16;
	s14 =	rddreg [dreg:$0x15];
	v2 =	vsub.f32 $1.000000000e+00, v23;
	v29 =	vpop (erf)  }
0x170: {  	v30 =	vadd.s32 $0x7800, v20;
	s21 =	sor.u32 s14, s4;
	v0 =	vmul.f32 $1.442695020e+00, v0;
	v31 =	vpop (erf)  }
0x171: {  	v32 =	vadd.s32 $0x11800, v21;
	[tilespmem:s21+$0x0] =	vst v2;
	v33 =	vpop (erf)  }
0x172: {  	s15 =	rddreg [dreg:$0x17];
	(erf) = vpow2.f32 v0;
	v35 =	vsub.f32 $1.000000000e+00, v33  }
0x173: {  	v37 =	vld.idx.msk [tilespmem:v26+s26+$0x0], $0xffff;
	s22 =	sor.u32 s15, s4  }
0x174: {  	v1 =	vld.idx.msk [tilespmem:v28+s26+$0x0], $0xffff;
	[tilespmem:s22+$0x0] =	vst v35  }
0x175: {  	v34 =	vadd.s32 $0x7800, v4;
	v39 =	vld.idx.msk [tilespmem:v30+s26+$0x0], $0xffff  }
0x176: {  	v36 =	vadd.s32 $0x11800, v6;
	v40 =	vld.idx.msk [tilespmem:v32+s26+$0x0], $0xffff  }
0x177: {  	v38 =	vsub.f32 $1.000000000e+00, v25;
	s12 =	rddreg [dreg:$0x11]  }
0x178: {  	s0 =	sor.u32 s12, s4  }
0x179: {  	v1 =	vadd.f32 v1, v37;
	[tilespmem:s0+$0x0] =	vst v38  }
0x17a: {  	v4 =	vld.idx.msk [tilespmem:v34+s26+$0x0], $0xffff  }
0x17b: {  	v1 =	vmul.f32 $1.442695020e+00, v1;
	v2 =	vld.idx.msk [tilespmem:v36+s26+$0x0], $0xffff;
	v41 =	vpop (erf);
	v0 =	vadd.f32 v40, v39  }
0x17c: {  	v6 =	vadd.f32 $5.000000000e-01, v41  }
0x17d: {  	(erf) = vpow2.f32 v1;
	v0 =	vmul.f32 $1.442695020e+00, v0  }
0x17e: {  	(erf) = vrcp.f32 v6  }
0x17f: {  	(erf) = vpow2.f32 v0  }
0x180: {  	v2 =	vadd.f32 v2, v4;
	_ =	sdelay $0x1  }
0x181: {  	v42 =	vmul.f32 $1.442695020e+00, v2;
	_ =	sdelay $0x1  }
0x182: {  	(erf) = vpow2.f32 v42;
	_ =	sdelay $0x1  }
0x183: {  	v43 =	vpop (erf)  }
0x184: {  	v44 =	vpop (erf)  }
0x185: {  	s23 =	sadd.s32 $0x17C80, s29;
	v45 =	vsub.f32 $1.000000000e+00, v24;
	v46 =	vpop (erf)  }
0x186: {  	s25 =	sor.u32 s19, s23;
	v47 =	vsub.f32 $1.000000000e+00, v12;
	v4 =	vadd.f32 $5.000000000e-01, v46  }
0x187: {  	s28 =	sor.u32 s9, s23;
	v48 =	vsub.f32 $1.000000000e+00, v13;
	[tilespmem:s25+$0x0] =	vst v45  }
0x188: {  	s31 =	sadd.s32 $0x17C80, s30;
	s29 =	sor.u32 s24, s23;
	v53 =	vsub.f32 $1.000000000e+00, v8;
	[tilespmem:s28+$0x0] =	vst v47;
	(erf) = vrcp.f32 v4  }
0x189: {  	s9 =	sor.u32 s5, s31;
	v54 =	vsub.f32 $1.000000000e+00, v9;
	[tilespmem:s29+$0x0] =	vst v48  }
0x18a: {  	s11 =	sadd.s32 $0x17C80, s11;
	s1 =	sor.u32 s16, s31;
	v55 =	vsub.f32 $1.000000000e+00, v57;
	[tilespmem:s9+$0x0] =	vst v53;
	v0 =	vadd.f32 $5.000000000e-01, v43;
	v49 =	vpop (erf)  }
0x18b: {  	s16 =	sor.u32 s10, s11;
	v57 =	vsub.f32 $1.000000000e+00, v29;
	[tilespmem:s1+$0x0] =	vst v54;
	v10 =	vadd.f32 $5.000000000e-01, v49  }
0x18c: {  	s19 =	sor.u32 s7, s11;
	v52 =	vsub.f32 $1.000000000e+00, v7;
	[tilespmem:s16+$0x0] =	vst v55;
	(erf) = vrcp.f32 v0  }
0x18d: {  	v50 =	vsub.f32 $1.000000000e+00, v15;
	[tilespmem:s19+$0x0] =	vst v57;
	s4 =	sor.u32 s2, s31;
	(erf) = vrcp.f32 v10  }
0x18e: {  	v51 =	vsub.f32 $1.000000000e+00, v5;
	s0 =	sor.u32 s3, s23;
	[tilespmem:s4+$0x0] =	vst v52  }
0x18f: {  	v56 =	vsub.f32 $1.000000000e+00, v27;
	s3 =	sor.u32 s17, s31;
	[tilespmem:s0+$0x0] =	vst v50  }
0x190: {  	v58 =	vsub.f32 $1.000000000e+00, v31;
	s17 =	sor.u32 s8, s11;
	[tilespmem:s3+$0x0] =	vst v51  }
0x191: {  	s20 =	sadd.s32 $0x17C80, s13;
	[tilespmem:s17+$0x0] =	vst v56;
	s0 =	sor.u32 s6, s11;
	v1 =	vsub.f32 $1.000000000e+00, v44;
	v59 =	vpop (erf)  }
0x192: {  	s21 =	sor.u32 s18, s20;
	[tilespmem:s0+$0x0] =	vst v58;
	v60 =	vsub.f32 $1.000000000e+00, v59  }
0x193: {  	s22 =	sor.u32 s15, s20;
	[tilespmem:s21+$0x0] =	vst v1  }
0x194: {  	[tilespmem:s22+$0x0] =	vst v60  }
0x195: {  	v61 =	vpop (erf);
	s24 =	sld [smem:$0x7F6]  }
0x196: {  	v62 =	vsub.f32 $1.000000000e+00, v61;
	v63 =	vpop (erf)  }
0x197: {  	s23 =	sor.u32 s14, s20;
	v2 =	vsub.f32 $1.000000000e+00, v63  }
0x198: {  	s30 =	simm.s32 $0x9C400;
	s1 =	sor.u32 s12, s20;
	[tilespmem:s23+$0x0] =	vst v62;
	s25 =	smul.u32 $0x280, s24  }
0x199: {  	s28 =	rddreg [dreg:$0x2];
	s29 =	simm.s32 $0x1400;
	s31 =	simm.s32 $0x16800;
	[tilespmem:s1+$0x0] =	vst v2  }
0x19a: {  	p2 =	sgt.u32 s24, $0x3C;
	s2 =	sld [smem:$0x7FB];
	s0 =	sadd.s32 s28, s25  }
0x19b: {  	[hbm4b:s0+s29] =	stream.strided.scatter [tilespmem:s31], [sflag:$0x3], $0x2800, s30, s29, $0x38;
	[tilespmem:$0x1B800] =	vst v63  }
0x19c: {  	s1 =	simm.s32 @!p2 $0x14000;
	s0 =	simm.s32 @!p2 $0x0  }
0x19d: {  	[tilespmem:s1], [sflag:$0x1] =	stream.linear.gather @!p2 [hbm4b:s2+s0], $0x1400, $0x38;
	[tilespmem:$0x1B800] =	vst v63  }
0x19e: {  	s1 =	sor.u32 $0x20, s24  }
0x19f: {  	p2 =	sgt.u32 s1, $0x7C  }
.Ltmp5:
0x1a0: {  	_ = 	snop;
	(pc) =	sbr.rel @p2 .LBB2_8-.Ltmp5, $4  }
0x1a1: {  	s0 =	simm.s32 @!p1 $0x4  }
0x1a2: {  	_ =	swait.ge @!p1 [sflag:s0], $0x2800  }
0x1a3: {  	[sflag:s0] =	ssyncset.done @!p1 $0x0  }
0x1a4: {  	[sflag:s0] =	ssyncadd.s32 @!p1 $0xFFFFD800  }
0x1a5: {  	[smem:$0x7E9] =	sst s1  }
0x1a6: {  	p2 =	por $0x0, $0x0;
	s0 =	simm.s32 $0x1;
	s9 =	simm.s32 $0x2  }
0x1a7: {  	s2 =	simm.s32 $0x0;
	s0 =	simm.s32 @!p2 $0x0;
	_ =	swait.ge [sflag:s9], $0x1400  }
0x1a8: {  	s18 =	sand.u32 $0x40, s2;
	s30 =	sand.u32 $0x1F00, s2;
	s0 =	sshll.u32 s0, $0x6  }
0x1a9: {  	[sflag:s9] =	ssyncset.done $0x0;
	s22 =	sor.u32 $0x20, s18;
	s0 =	sadd.s32 $0x0, s0  }
0x1aa: {  	[sflag:s9] =	ssyncadd.s32 $0xFFFFEC00;
	s8 =	sor.u32 s30, s22;
	s10 =	sadd.s32 $0x10, s0  }
0x1ab: {  	s3 =	sadd.s32 $0x20, s0;
	v32 =	vld [tilespmem:s8+$0x15400];
	s1 =	sor.u32 $0x80, s10  }
0x1ac: {  	s19 =	sor.u32 $0x10, s18;
	s12 =	sor.u32 $0x80, s3;
	v31 =	vld [tilespmem:s1+$0x15400]  }
0x1ad: {  	s3 =	sor.u32 s30, s19;
	v30 =	vld [tilespmem:s12+$0x15400]  }
0x1ae: {  	v29 =	vld [tilespmem:s3+$0x15400];
	_ =	sdelay $0x1  }
0x1af: {  	s6 =	sor.u32 s18, s30;
	s25 =	sor.u32 $0x30, s18  }
0x1b0: {  	s5 =	sor.u32 s30, s25;
	v26 =	vld [tilespmem:s6+$0x15400];
	s11 =	sadd.s32 $0x30, s0  }
0x1b1: {  	v27 =	vld [tilespmem:s5+$0x15400];
	s2 =	sor.u32 $0x80, s11;
	v0 =	vadd.s32 $0xA000, v31  }
0x1b2: {  	s10 =	sor.u32 $0x80, s0;
	v28 =	vld [tilespmem:s2+$0x15400];
	v1 =	vadd.s32 $0xA000, v30  }
0x1b3: {  	v25 =	vld [tilespmem:s10+$0x15400]  }
0x1b4: {  	v3 =	vld.idx.msk [tilespmem:v32+s26+$0x0], $0xffff  }
0x1b5: {  	v2 =	vld.idx.msk [tilespmem:v29+s26+$0x0], $0xffff  }
0x1b6: {  	v0 =	vld.idx.msk [tilespmem:v0+s26+$0x0], $0xffff  }
0x1b7: {  	v4 =	vadd.s32 $0xA000, v28;
	v1 =	vld.idx.msk [tilespmem:v1+s26+$0x0], $0xffff  }
0x1b8: {  	v5 =	vadd.s32 $0xA000, v25;
	_ =	sdelay $0x1  }
0x1b9: {  	v6 =	vld.idx.msk [tilespmem:v26+s26+$0x0], $0xffff  }
0x1ba: {  	v7 =	vld.idx.msk [tilespmem:v27+s26+$0x0], $0xffff;
	v0 =	vadd.f32 v0, v2  }
0x1bb: {  	v2 =	vld.idx.msk [tilespmem:v4+s26+$0x0], $0xffff;
	v1 =	vadd.f32 v1, v3  }
0x1bc: {  	v3 =	vld.idx.msk [tilespmem:v5+s26+$0x0], $0xffff;
	v0 =	vmul.f32 $1.442695020e+00, v0  }
0x1bd: {  	v1 =	vmul.f32 $1.442695020e+00, v1  }
0x1be: {  	(erf) = vpow2.f32 v0  }
0x1bf: {  	(erf) = vpow2.f32 v1  }
0x1c0: {  	v0 =	vadd.f32 v2, v7  }
0x1c1: {  	v1 =	vadd.f32 v3, v6  }
0x1c2: {  	v0 =	vmul.f32 $1.442695020e+00, v0  }
0x1c3: {  	v1 =	vmul.f32 $1.442695020e+00, v1  }
0x1c4: {  	p2 =	por !p2, !p2;
	s0 =	simm.s32 $0x1;
	(erf) = vpow2.f32 v0  }
0x1c5: {  	s0 =	simm.s32 @!p2 $0x0;
	(erf) = vpow2.f32 v1  }
0x1c6: {  	s0 =	sshll.u32 s0, $0x6  }
0x1c7: {  	s13 =	simm.s32 $0x40;
	s9 =	sadd.s32 $0x80, s0;
	v0 =	vpop (erf)  }
0x1c8: {  	s7 =	simm.s32 $0x80;
	s16 =	sand.u32 $0x40, s13;
	s11 =	sadd.s32 $0x10, s9;
	v0 =	vadd.f32 $5.000000000e-01, v0;
	v1 =	vpop (erf)  }
0x1c9: {  	s31 =	sand.u32 $0x1F00, s7;
	s15 =	sor.u32 $0x20, s16;
	s28 =	sor.u32 $0x80, s11;
	v1 =	vadd.f32 $5.000000000e-01, v1  }
0x1ca: {  	s17 =	smov.u32 s15;
	s15 =	sor.u32 s31, s15;
	s14 =	sadd.s32 $0x20, s9;
	v17 =	vld [tilespmem:s28+$0x15400];
	(erf) = vrcp.f32 v0  }
0x1cb: {  	s24 =	sor.u32 $0x10, s16;
	v15 =	vld [tilespmem:s15+$0x15400];
	s0 =	sor.u32 $0x80, s14;
	(erf) = vrcp.f32 v1  }
0x1cc: {  	s13 =	sor.u32 s31, s24;
	v23 =	vld [tilespmem:s0+$0x15400]  }
0x1cd: {  	s20 =	sor.u32 $0x30, s16;
	v22 =	vld [tilespmem:s13+$0x15400];
	v0 =	vpop (erf)  }
0x1ce: {  	s7 =	sor.u32 s31, s20;
	s21 =	sadd.s32 $0x30, s9;
	[dreg:$0x6] =	wrdreg s20;
	v0 =	vadd.f32 $5.000000000e-01, v0;
	v1 =	vpop (erf)  }
0x1cf: {  	s29 =	sor.u32 $0x80, s21;
	v12 =	vld [tilespmem:s7+$0x15400];
	v2 =	vadd.s32 $0xA000, v17;
	v1 =	vadd.f32 $5.000000000e-01, v1  }
0x1d0: {  	s4 =	sor.u32 $0x80, s9;
	s14 =	sor.u32 s16, s31;
	v13 =	vld [tilespmem:s29+$0x15400];
	(erf) = vrcp.f32 v0  }
0x1d1: {  	v5 =	vld [tilespmem:s14+$0x15400];
	[smem:$0x7EE] =	sst s4;
	v0 =	vadd.s32 $0xA000, v23;
	(erf) = vrcp.f32 v1  }
0x1d2: {  	v19 =	vld [tilespmem:s4+$0x15400]  }
0x1d3: {  	v6 =	vld.idx.msk [tilespmem:v15+s26+$0x0], $0xffff;
	v3 =	vpop (erf)  }
0x1d4: {  	v4 =	vadd.s32 $0x2800, v32;
	v2 =	vld.idx.msk [tilespmem:v2+s26+$0x0], $0xffff;
	v7 =	vpop (erf)  }
0x1d5: {  	v9 =	vadd.s32 $0xC800, v30;
	v1 =	vld.idx.msk [tilespmem:v22+s26+$0x0], $0xffff;
	v7 =	vsub.f32 $1.000000000e+00, v7  }
0x1d6: {  	v8 =	vadd.s32 $0xA000, v13;
	v0 =	vld.idx.msk [tilespmem:v0+s26+$0x0], $0xffff  }
0x1d7: {  	v10 =	vadd.s32 $0xA000, v19  }
0x1d8: {  	v11 =	vld.idx.msk [tilespmem:v12+s26+$0x0], $0xffff;
	[tilespmem:s8+$0x19000] =	vst v7  }
0x1d9: {  	v14 =	vadd.s32 $0x2800, v26;
	v4 =	vld.idx.msk [tilespmem:v4+s26+$0x0], $0xffff;
	v7 =	vpop (erf)  }
0x1da: {  	v16 =	vadd.s32 $0xC800, v25;
	v1 =	vadd.f32 v2, v1;
	v2 =	vld.idx.msk [tilespmem:v9+s26+$0x0], $0xffff;
	v9 =	vpop (erf)  }
0x1db: {  	v8 =	vld.idx.msk [tilespmem:v8+s26+$0x0], $0xffff;
	v0 =	vadd.f32 v0, v6;
	v9 =	vsub.f32 $1.000000000e+00, v9  }
0x1dc: {  	v10 =	vld.idx.msk [tilespmem:v10+s26+$0x0], $0xffff;
	v1 =	vmul.f32 $1.442695020e+00, v1  }
0x1dd: {  	v6 =	vld.idx.msk [tilespmem:v5+s26+$0x0], $0xffff;
	v0 =	vmul.f32 $1.442695020e+00, v0;
	[tilespmem:s6+$0x19000] =	vst v9  }
0x1de: {  	(erf) = vpow2.f32 v1;
	v1 =	vld.idx.msk [tilespmem:v14+s26+$0x0], $0xffff  }
0x1df: {  	(erf) = vpow2.f32 v0;
	v0 =	vadd.f32 v2, v4;
	v2 =	vld.idx.msk [tilespmem:v16+s26+$0x0], $0xffff  }
0x1e0: {  	v8 =	vadd.f32 v8, v11;
	_ =	sdelay $0x1  }
0x1e1: {  	v4 =	vmul.f32 $1.442695020e+00, v8  }
0x1e2: {  	v6 =	vadd.f32 v10, v6;
	v0 =	vmul.f32 $1.442695020e+00, v0  }
0x1e3: {  	(erf) = vpow2.f32 v4;
	v1 =	vadd.f32 v2, v1  }
0x1e4: {  	(erf) = vpow2.f32 v0;
	v0 =	vmul.f32 $1.442695020e+00, v6;
	v6 =	vsub.f32 $1.000000000e+00, v7;
	_ =	sdelay $0x1  }
0x1e5: {  	v4 =	vadd.s32 $0x2800, v27  }
0x1e6: {  	v2 =	vadd.s32 $0xC800, v28;
	(erf) = vpow2.f32 v0;
	v0 =	vmul.f32 $1.442695020e+00, v1;
	v1 =	vpop (erf)  }
0x1e7: {  	[tilespmem:s5+$0x19000] =	vst v6;
	v6 =	vpop (erf)  }
0x1e8: {  	p2 =	por !p2, !p2;
	v7 =	vadd.s32 $0x2800, v29;
	s5 =	simm.s32 $0x1;
	(erf) = vpow2.f32 v0;
	v0 =	vadd.f32 $5.000000000e-01, v6  }
0x1e9: {  	v3 =	vsub.f32 $1.000000000e+00, v3;
	s5 =	simm.s32 @!p2 $0x0;
	v1 =	vadd.f32 $5.000000000e-01, v1  }
0x1ea: {  	s23 =	simm.s32 $0x80;
	s9 =	smov.u32 s19;
	v4 =	vld.idx.msk [tilespmem:v4+s26+$0x0], $0xffff;
	s5 =	sshll.u32 s5, $0x6  }
0x1eb: {  	s4 =	simm.s32 $0x100;
	s6 =	sand.u32 $0x40, s23;
	s5 =	sadd.s32 $0x100, s5;
	(erf) = vrcp.f32 v1;
	v1 =	vld.idx.msk [tilespmem:v2+s26+$0x0], $0xffff;
	v2 =	vadd.s32 $0xC800, v31  }
0x1ec: {  	s19 =	sand.u32 $0x1F00, s4;
	[tilespmem:s3+$0x19000] =	vst v3;
	s11 =	sor.u32 $0x30, s6;
	s20 =	sadd.s32 $0x10, s5;
	(erf) = vrcp.f32 v0;
	v0 =	vpop (erf)  }
0x1ed: {  	s3 =	sor.u32 $0x80, s20;
	v6 =	vld.idx.msk [tilespmem:v7+s26+$0x0], $0xffff;
	[dreg:$0x9] =	wrdreg s11;
	s11 =	sor.u32 s19, s11;
	v3 =	vpop (erf)  }
0x1ee: {  	s21 =	sadd.s32 $0x20, s5;
	v11 =	vld [tilespmem:s11+$0x15400];
	[dreg:$0x1a] =	wrdreg s3;
	v3 =	vadd.f32 $5.000000000e-01, v3  }
0x1ef: {  	v7 =	vadd.f32 $5.000000000e-01, v0;
	v0 =	vld [tilespmem:s3+$0x15400];
	s3 =	sor.u32 $0x80, s21  }
0x1f0: {  	s23 =	sor.u32 $0x10, s6;
	v1 =	vadd.f32 v1, v4;
	v2 =	vld.idx.msk [tilespmem:v2+s26+$0x0], $0xffff;
	[smem:$0x7EA] =	sst s3;
	(erf) = vrcp.f32 v3  }
0x1f1: {  	s8 =	sor.u32 s19, s23;
	s4 =	sadd.s32 $0x30, s5;
	v8 =	vpop (erf);
	(erf) = vrcp.f32 v7;
	v7 =	vld [tilespmem:s3+$0x15400];
	[dreg:$0xc] =	wrdreg s23  }
0x1f2: {  	s20 =	sor.u32 $0x20, s6;
	s21 =	sor.u32 $0x80, s4;
	v3 =	vadd.f32 $5.000000000e-01, v8;
	v4 =	vmul.f32 $1.442695020e+00, v1;
	v1 =	vld [tilespmem:s8+$0x15400]  }
0x1f3: {  	v10 =	vpop (erf);
	v9 =	vld [tilespmem:s21+$0x15400];
	[dreg:$0xe] =	wrdreg s20;
	s20 =	sor.u32 s19, s20  }
0x1f4: {  	v16 =	vadd.s32 $0x2800, v15;
	(erf) = vrcp.f32 v3;
	v14 =	vpop (erf);
	v8 =	vld [tilespmem:s20+$0x15400];
	[dreg:$0x8] =	wrdreg s6  }
0x1f5: {  	s23 =	sor.u32 $0x80, s5;
	v20 =	vadd.s32 $0xA000, v0;
	(erf) = vpow2.f32 v4;
	v18 =	vpop (erf);
	[dreg:$0x10] =	wrdreg s19;
	s6 =	sor.u32 s6, s19  }
0x1f6: {  	v4 =	vadd.s32 $0xC800, v23;
	v6 =	vadd.f32 v2, v6;
	v3 =	vld [tilespmem:s6+$0x15400];
	v18 =	vsub.f32 $1.000000000e+00, v18;
	[dreg:$0x1e] =	wrdreg s23  }
0x1f7: {  	v10 =	vadd.f32 $5.000000000e-01, v10;
	v2 =	vld [tilespmem:s23+$0x15400]  }
0x1f8: {  	v6 =	vmul.f32 $1.442695020e+00, v6;
	[tilespmem:s15+$0x19000] =	vst v18;
	v18 =	vld.idx.msk [tilespmem:v11+s26+$0x0], $0xffff  }
0x1f9: {  	(erf) = vrcp.f32 v10;
	v10 =	vadd.s32 $0xA000, v7;
	v16 =	vld.idx.msk [tilespmem:v16+s26+$0x0], $0xffff  }
0x1fa: {  	v24 =	vadd.s32 $0xA000, v9;
	v20 =	vld.idx.msk [tilespmem:v20+s26+$0x0], $0xffff;
	v21 =	vpop (erf);
	(erf) = vpow2.f32 v6  }
0x1fb: {  	v4 =	vld.idx.msk [tilespmem:v4+s26+$0x0], $0xffff  }
0x1fc: {  	v33 =	vld.idx.msk [tilespmem:v1+s26+$0x0], $0xffff  }
0x1fd: {  	v6 =	vpop (erf);
	v35 =	vld.idx.msk [tilespmem:v8+s26+$0x0], $0xffff  }
0x1fe: {  	v34 =	vpop (erf);
	v10 =	vld.idx.msk [tilespmem:v10+s26+$0x0], $0xffff  }
0x1ff: {  	v38 =	vadd.s32 $0xA000, v2;
	v36 =	vpop (erf);
	v24 =	vld.idx.msk [tilespmem:v24+s26+$0x0], $0xffff  }
0x200: {  	v37 =	vadd.s32 $0x5000, v32;
	v59 =	vadd.s32 $0x2800, v5;
	v36 =	vadd.f32 $5.000000000e-01, v36  }
0x201: {  	v39 =	vadd.s32 $0xC800, v19;
	v21 =	vsub.f32 $1.000000000e+00, v21;
	v20 =	vadd.f32 v20, v33  }
0x202: {  	v61 =	vpop (erf);
	v4 =	vadd.f32 v4, v16;
	v16 =	vadd.s32 $0xF000, v30;
	(erf) = vrcp.f32 v36  }
0x203: {  	v60 =	vsub.f32 $1.000000000e+00, v34;
	[tilespmem:s12+$0x19000] =	vst v21;
	v21 =	vld.idx.msk [tilespmem:v3+s26+$0x0], $0xffff;
	v10 =	vadd.f32 v10, v35;
	v20 =	vmul.f32 $1.442695020e+00, v20;
	v62 =	vpop (erf)  }
0x204: {  	v63 =	vld.idx.msk [tilespmem:v38+s26+$0x0], $0xffff;
	v18 =	vadd.f32 v24, v18;
	v24 =	vadd.f32 $5.000000000e-01, v62  }
0x205: {  	v37 =	vld.idx.msk [tilespmem:v37+s26+$0x0], $0xffff;
	[tilespmem:s14+$0x19000] =	vst v60;
	v10 =	vmul.f32 $1.442695020e+00, v10;
	(erf) = vpow2.f32 v20  }
0x206: {  	v40 =	vadd.s32 $0x5000, v26;
	v41 =	vld.idx.msk [tilespmem:v59+s26+$0x0], $0xffff;
	v18 =	vmul.f32 $1.442695020e+00, v18;
	(erf) = vrcp.f32 v24  }
0x207: {  	v4 =	vmul.f32 $1.442695020e+00, v4;
	v16 =	vld.idx.msk [tilespmem:v16+s26+$0x0], $0xffff;
	v20 =	vadd.s32 $0xF000, v25;
	(erf) = vpow2.f32 v10  }
0x208: {  	v34 =	vsub.f32 $1.000000000e+00, v61;
	v10 =	vld.idx.msk [tilespmem:v39+s26+$0x0], $0xffff;
	(erf) = vpow2.f32 v18  }
0x209: {  	(erf) = vpow2.f32 v4;
	v4 =	vadd.f32 v63, v21  }
0x20a: {  	[tilespmem:s10+$0x19000] =	vst v34;
	v24 =	vadd.s32 $0xF000, v28  }
0x20b: {  	v34 =	vld.idx.msk [tilespmem:v40+s26+$0x0], $0xffff;
	v18 =	vadd.s32 $0x5000, v27;
	v42 =	vpop (erf);
	v4 =	vmul.f32 $1.442695020e+00, v4  }
0x20c: {  	v16 =	vadd.f32 v16, v37;
	v20 =	vld.idx.msk [tilespmem:v20+s26+$0x0], $0xffff;
	v21 =	vsub.f32 $1.000000000e+00, v42  }
0x20d: {  	v43 =	vadd.s32 $0x2800, v22;
	v44 =	vadd.s32 $0xC800, v13;
	v10 =	vadd.f32 v10, v41  }
0x20e: {  	v14 =	vsub.f32 $1.000000000e+00, v14;
	v16 =	vmul.f32 $1.442695020e+00, v16;
	[tilespmem:s2+$0x19000] =	vst v21;
	v21 =	vadd.s32 $0x2800, v12  }
0x20f: {  	v6 =	vsub.f32 $1.000000000e+00, v6;
	v24 =	vld.idx.msk [tilespmem:v24+s26+$0x0], $0xffff;
	(erf) = vpow2.f32 v4;
	v10 =	vmul.f32 $1.442695020e+00, v10;
	v4 =	vpop (erf)  }
0x210: {  	v45 =	vadd.s32 $0x5000, v29;
	v18 =	vld.idx.msk [tilespmem:v18+s26+$0x0], $0xffff;
	v4 =	vadd.f32 $5.000000000e-01, v4  }
0x211: {  	[tilespmem:s7+$0x19000] =	vst v6;
	v20 =	vadd.f32 v20, v34;
	(erf) = vpow2.f32 v16;
	v46 =	vpop (erf)  }
0x212: {  	p2 =	por !p2, !p2;
	[tilespmem:s13+$0x19000] =	vst v14;
	v47 =	vld.idx.msk [tilespmem:v44+s26+$0x0], $0xffff;
	s10 =	simm.s32 $0x1;
	v14 =	vpop (erf);
	v6 =	vsub.f32 $1.000000000e+00, v46  }
0x213: {  	s4 =	simm.s32 $0x180;
	s3 =	simm.s32 $0xC0;
	s10 =	simm.s32 @!p2 $0x0;
	(erf) = vpow2.f32 v10;
	v16 =	vmul.f32 $1.442695020e+00, v20;
	v20 =	vld.idx.msk [tilespmem:v21+s26+$0x0], $0xffff;
	v21 =	vadd.s32 $0xF000, v31;
	v10 =	vpop (erf)  }
0x214: {  	s5 =	sand.u32 $0x40, s3;
	s12 =	sand.u32 $0x1F00, s4;
	v33 =	vld.idx.msk [tilespmem:v43+s26+$0x0], $0xffff;
	s14 =	sshll.u32 s10, $0x6;
	v14 =	vadd.f32 $5.000000000e-01, v14;
	(erf) = vrcp.f32 v4;
	[tilespmem:s1+$0x19000] =	vst v6;
	v4 =	vpop (erf)  }
0x215: {  	s10 =	sor.u32 s5, s12;
	s2 =	sor.u32 $0x30, s5;
	v18 =	vadd.f32 v24, v18;
	(erf) = vpow2.f32 v16;
	s1 =	sadd.s32 $0x180, s14;
	v16 =	vld.idx.msk [tilespmem:v45+s26+$0x0], $0xffff;
	v6 =	vadd.f32 $5.000000000e-01, v4  }
0x216: {  	s4 =	sor.u32 s12, s2;
	v24 =	vadd.f32 $5.000000000e-01, v10;
	(erf) = vrcp.f32 v14;
	s15 =	sadd.s32 $0x10, s1;
	v4 =	vld [tilespmem:s10+$0x15400];
	[dreg:$0x16] =	wrdreg s2  }
0x217: {  	s2 =	sor.u32 $0x80, s15;
	v10 =	vld [tilespmem:s4+$0x15400];
	(erf) = vrcp.f32 v6;
	v6 =	vmul.f32 $1.442695020e+00, v18;
	v18 =	vadd.s32 $0xC800, v17  }
0x218: {  	s19 =	sadd.s32 $0x20, s1;
	(erf) = vrcp.f32 v24;
	v24 =	vld.idx.msk [tilespmem:v21+s26+$0x0], $0xffff;
	[dreg:$0x1b] =	wrdreg s2  }
0x219: {  	s23 =	sor.u32 $0x80, s1;
	v48 =	vpop (erf);
	v21 =	vld [tilespmem:s2+$0x15400];
	s2 =	sor.u32 $0x80, s19  }
0x21a: {  	v14 =	vpop (erf);
	(erf) = vpow2.f32 v6;
	v6 =	vld [tilespmem:s23+$0x15400];
	[smem:$0x7EB] =	sst s2  }
0x21b: {  	s14 =	sor.u32 $0x10, s5;
	v50 =	vadd.f32 $5.000000000e-01, v14;
	v14 =	vld [tilespmem:s2+$0x15400]  }
0x21c: {  	s3 =	sor.u32 s12, s14;
	v20 =	vadd.f32 v47, v20;
	v52 =	vld.idx.msk [tilespmem:v18+s26+$0x0], $0xffff;
	[dreg:$0x12] =	wrdreg s5  }
0x21d: {  	s13 =	sor.u32 $0x20, s5;
	v49 =	vpop (erf);
	[smem:$0x7EC] =	sst s3  }
0x21e: {  	v51 =	vadd.s32 $0x2800, v1;
	s7 =	sor.u32 s12, s13;
	v35 =	vadd.f32 $5.000000000e-01, v48;
	v53 =	vmul.f32 $1.442695020e+00, v20;
	v18 =	vpop (erf);
	v20 =	vld [tilespmem:s3+$0x15400];
	[dreg:$0x14] =	wrdreg s12  }
0x21f: {  	v56 =	vadd.s32 $0x2800, v8;
	s1 =	sadd.s32 $0x30, s1;
	(erf) = vrcp.f32 v50;
	v24 =	vadd.f32 v24, v16;
	v54 =	vpop (erf);
	[smem:$0x7ED] =	sst s7  }
0x220: {  	v34 =	vadd.f32 $5.000000000e-01, v49;
	s5 =	sor.u32 $0x80, s1;
	(erf) = vrcp.f32 v35;
	v55 =	vsub.f32 $1.000000000e+00, v18;
	v18 =	vld [tilespmem:s7+$0x15400];
	v41 =	vpop (erf)  }
0x221: {  	v42 =	vadd.s32 $0xC800, v7;
	(erf) = vpow2.f32 v53;
	v16 =	vld [tilespmem:s5+$0x15400];
	v43 =	vmul.f32 $1.442695020e+00, v24;
	v57 =	vpop (erf)  }
0x222: {  	v40 =	vld.idx.msk [tilespmem:v4+s26+$0x0], $0xffff;
	(erf) = vrcp.f32 v34;
	v60 =	vadd.s32 $0xA000, v21;
	[tilespmem:s8+$0x19000] =	vst v55;
	v41 =	vsub.f32 $1.000000000e+00, v41;
	v58 =	vpop (erf)  }
0x223: {  	v44 =	vadd.s32 $0x5000, v15;
	v24 =	vld.idx.msk [tilespmem:v51+s26+$0x0], $0xffff;
	v33 =	vadd.f32 v52, v33;
	(erf) = vpow2.f32 v43;
	v59 =	vpop (erf)  }
0x224: {  	[tilespmem:s20+$0x19000] =	vst v41;
	v41 =	vld.idx.msk [tilespmem:v10+s26+$0x0], $0xffff;
	v37 =	vadd.f32 $5.000000000e-01, v59  }
0x225: {  	v61 =	vadd.s32 $0xA000, v14;
	v63 =	vsub.f32 $1.000000000e+00, v57;
	v35 =	vld.idx.msk [tilespmem:v56+s26+$0x0], $0xffff;
	v33 =	vmul.f32 $1.442695020e+00, v33  }
0x226: {  	v36 =	vadd.f32 $5.000000000e-01, v54;
	v42 =	vld.idx.msk [tilespmem:v42+s26+$0x0], $0xffff;
	(erf) = vrcp.f32 v37  }
0x227: {  	v62 =	vadd.s32 $0xA000, v16;
	v38 =	vld.idx.msk [tilespmem:v60+s26+$0x0], $0xffff;
	[tilespmem:s0+$0x19000] =	vst v63;
	(erf) = vpow2.f32 v33  }
0x228: {  	v26 =	vadd.s32 $0x7800, v26;
	v47 =	vadd.s32 $0xA000, v6;
	v52 =	vpop (erf);
	v44 =	vld.idx.msk [tilespmem:v44+s26+$0x0], $0xffff;
	(erf) = vrcp.f32 v36  }
0x229: {  	v32 =	vadd.s32 $0x7800, v32;
	v30 =	vadd.s32 $0x11800, v30;
	v25 =	vadd.s32 $0x11800, v25;
	v45 =	vld.idx.msk [tilespmem:v20+s26+$0x0], $0xffff;
	v48 =	vpop (erf)  }
0x22a: {  	v28 =	vadd.s32 $0x11800, v28;
	v27 =	vadd.s32 $0x7800, v27;
	v43 =	vadd.s32 $0x7800, v29;
	v54 =	vld.idx.msk [tilespmem:v61+s26+$0x0], $0xffff;
	v55 =	vpop (erf)  }
0x22b: {  	s12 =	sadd.s32 $0x1A400, s30;
	v59 =	vadd.s32 $0xF000, v23;
	v53 =	vsub.f32 $1.000000000e+00, v52;
	v46 =	vld.idx.msk [tilespmem:v18+s26+$0x0], $0xffff;
	v29 =	vadd.f32 $5.000000000e-01, v55;
	v56 =	vpop (erf)  }
0x22c: {  	v50 =	vadd.s32 $0xC800, v2;
	s15 =	sor.u32 s22, s12;
	v57 =	vadd.s32 $0x2800, v3;
	v34 =	vsub.f32 $1.000000000e+00, v58;
	v37 =	vld.idx.msk [tilespmem:v62+s26+$0x0], $0xffff;
	v58 =	vpop (erf)  }
0x22d: {  	v61 =	vld.idx.msk [tilespmem:v47+s26+$0x0], $0xffff;
	[tilespmem:s15+$0x0] =	vst v53;
	v35 =	vadd.f32 v42, v35;
	(erf) = vrcp.f32 v29;
	v42 =	vadd.f32 $5.000000000e-01, v58  }
0x22e: {  	v49 =	vadd.s32 $0x2800, v11;
	v48 =	vsub.f32 $1.000000000e+00, v48;
	v32 =	vld.idx.msk [tilespmem:v32+s26+$0x0], $0xffff;
	v38 =	vadd.f32 v38, v45  }
0x22f: {  	v63 =	vadd.s32 $0x5000, v5;
	[tilespmem:s11+$0x19000] =	vst v34;
	v30 =	vld.idx.msk [tilespmem:v30+s26+$0x0], $0xffff;
	v39 =	vsub.f32 $1.000000000e+00, v56;
	(erf) = vrcp.f32 v42;
	v60 =	vpop (erf)  }
0x230: {  	[tilespmem:s6+$0x19000] =	vst v48;
	v34 =	vld.idx.msk [tilespmem:v59+s26+$0x0], $0xffff;
	v36 =	vadd.f32 v54, v46;
	v38 =	vmul.f32 $1.442695020e+00, v38;
	v62 =	vpop (erf);
	v42 =	vsub.f32 $1.000000000e+00, v60  }
0x231: {  	s19 =	sor.u32 s25, s12;
	v53 =	vadd.s32 $0xF000, v19;
	v33 =	vld.idx.msk [tilespmem:v57+s26+$0x0], $0xffff;
	v37 =	vadd.f32 v37, v41;
	v46 =	vadd.f32 $5.000000000e-01, v62;
	v51 =	vpop (erf)  }
0x232: {  	v52 =	vld.idx.msk [tilespmem:v50+s26+$0x0], $0xffff;
	v36 =	vmul.f32 $1.442695020e+00, v36;
	(erf) = vpow2.f32 v38;
	[tilespmem:s19+$0x0] =	vst v42;
	v38 =	vsub.f32 $1.000000000e+00, v51  }
0x233: {  	s20 =	sor.u32 s18, s12;
	v54 =	vadd.s32 $0x5000, v12;
	v37 =	vmul.f32 $1.442695020e+00, v37;
	(erf) = vrcp.f32 v46;
	v55 =	vld.idx.msk [tilespmem:v27+s26+$0x0], $0xffff;
	s1 =	sld [smem:$0x7EE]  }
0x234: {  	v30 =	vadd.f32 v30, v32;
	v56 =	vld.idx.msk [tilespmem:v28+s26+$0x0], $0xffff;
	v28 =	vmul.f32 $1.442695020e+00, v35;
	(erf) = vpow2.f32 v36;
	[tilespmem:s20+$0x0] =	vst v38  }
0x235: {  	v58 =	vadd.f32 v61, v40;
	v27 =	vadd.s32 $0xF000, v13;
	(erf) = vpow2.f32 v37;
	v32 =	vld.idx.msk [tilespmem:v26+s26+$0x0], $0xffff  }
0x236: {  	v57 =	vpop (erf);
	v26 =	vmul.f32 $1.442695020e+00, v30;
	v30 =	vadd.f32 v34, v44;
	[tilespmem:s1+$0x19000] =	vst v39;
	(erf) = vpow2.f32 v28;
	v28 =	vld.idx.msk [tilespmem:v25+s26+$0x0], $0xffff  }
0x237: {  	v31 =	vadd.s32 $0x11800, v31;
	v59 =	vsub.f32 $1.000000000e+00, v57;
	v47 =	vld.idx.msk [tilespmem:v63+s26+$0x0], $0xffff  }
0x238: {  	v61 =	vmul.f32 $1.442695020e+00, v58;
	v33 =	vadd.f32 v52, v33;
	v60 =	vld.idx.msk [tilespmem:v53+s26+$0x0], $0xffff;
	v62 =	vpop (erf);
	v25 =	vmul.f32 $1.442695020e+00, v30  }
0x239: {  	v29 =	vld.idx.msk [tilespmem:v49+s26+$0x0], $0xffff;
	[tilespmem:s29+$0x19000] =	vst v59;
	(erf) = vpow2.f32 v26;
	v26 =	vsub.f32 $1.000000000e+00, v62  }
0x23a: {  	s0 =	sor.u32 s9, s12;
	v30 =	vmul.f32 $1.442695020e+00, v33;
	v35 =	vld.idx.msk [tilespmem:v54+s26+$0x0], $0xffff;
	(erf) = vpow2.f32 v61  }
0x23b: {  	v34 =	vadd.s32 $0x5000, v22;
	v27 =	vld.idx.msk [tilespmem:v27+s26+$0x0], $0xffff;
	v63 =	vpop (erf);
	(erf) = vpow2.f32 v25;
	[tilespmem:s0+$0x0] =	vst v26;
	v26 =	vadd.f32 v56, v55  }
0x23c: {  	p2 =	por !p2, !p2;
	s3 =	smov.u32 s18;
	v33 =	vadd.s32 $0xC800, v9;
	v38 =	vadd.f32 $5.000000000e-01, v63;
	(erf) = vpow2.f32 v30;
	v30 =	vld.idx.msk [tilespmem:v43+s26+$0x0], $0xffff;
	v25 =	vpop (erf)  }
0x23d: {  	s11 =	simm.s32 $0x200;
	s1 =	simm.s32 $0xC;
	s0 =	simm.s32 $0x100;
	v31 =	vld.idx.msk [tilespmem:v31+s26+$0x0], $0xffff;
	v36 =	vmul.f32 $1.442695020e+00, v26;
	v39 =	vadd.f32 v60, v47;
	v37 =	vsub.f32 $1.000000000e+00, v25  }
.LBB2_6:
0x23e: {  	[smem:$0x7E5] =	sst s10  }
0x23f: {  	[smem:$0x7E4] =	sst s23;
	s2 =	simm.s32 $0x1  }
0x240: {  	[smem:$0x7E6] =	sst s14;
	v40 =	vadd.s32 $0xF000, v17;
	v25 =	vmov v1;
	v1 =	vmov v20;
	s2 =	simm.s32 @!p2 $0x0;
	v26 =	vpop (erf)  }
0x241: {  	[smem:$0x7E7] =	sst s21;
	v42 =	vmul.f32 $1.442695020e+00, v39;
	s2 =	sshll.u32 s2, $0x6;
	(erf) = vrcp.f32 v38;
	v20 =	vadd.f32 $5.000000000e-01, v26;
	v26 =	vpop (erf)  }
0x242: {  	[smem:$0x7E8] =	sst s5;
	v47 =	vadd.s32 $0xC800, v0;
	v41 =	vadd.f32 v28, v32;
	s2 =	sadd.s32 s2, s11;
	v48 =	vpop (erf);
	(erf) = vpow2.f32 v36  }
0x243: {  	s5 =	smov.u32 s25;
	s25 =	sand.u32 $0x40, s0;
	s8 =	sor.u32 $0x80, s2;
	v35 =	vadd.f32 v27, v35;
	v49 =	vadd.f32 $5.000000000e-01, v48;
	(erf) = vpow2.f32 v42  }
0x244: {  	v46 =	vld.idx.msk [tilespmem:v33+s26+$0x0], $0xffff;
	v33 =	vmov v13;
	s12 =	sadd.s32 $0x10, s2;
	s18 =	sadd.s32 $0x20, s2;
	s15 =	sadd.s32 $0x30, s2;
	v26 =	vadd.f32 $5.000000000e-01, v26;
	v50 =	vpop (erf);
	(erf) = vrcp.f32 v20  }
0x245: {  	v13 =	vmov v9;
	s29 =	sor.u32 $0x80, s12;
	s12 =	sor.u32 $0x80, s15;
	s15 =	rddreg [dreg:$0x1a];
	v9 =	vpop (erf);
	v20 =	vmul.f32 $1.442695020e+00, v35;
	(erf) = vrcp.f32 v49  }
0x246: {  	[tilespmem:s28+$0x19000] =	vst v37;
	s2 =	sor.u32 $0x80, s18;
	s18 =	rddreg [dreg:$0x1b];
	v51 =	vadd.f32 $5.000000000e-01, v50;
	s28 =	smov.u32 s15;
	v52 =	vadd.f32 $5.000000000e-01, v9;
	v9 =	vpop (erf);
	(erf) = vrcp.f32 v26  }
0x247: {  	v31 =	vadd.f32 v31, v30;
	v27 =	vld [tilespmem:s29+$0x15400];
	s15 =	smov.u32 s18;
	s18 =	smov.u32 s29;
	s29 =	sld [smem:$0x7EC];
	v54 =	vpop (erf);
	v55 =	vadd.f32 $5.000000000e-01, v9;
	(erf) = vpow2.f32 v20  }
0x248: {  	s20 =	sand.u32 $0x1F00, s11;
	v58 =	vadd.s32 $0xC800, v14;
	s7 =	sor.u32 $0x10, s25;
	v34 =	vld.idx.msk [tilespmem:v34+s26+$0x0], $0xffff;
	v41 =	vmul.f32 $1.442695020e+00, v41;
	[dreg:$0x1a] =	wrdreg s15;
	(erf) = vrcp.f32 v51  }
0x249: {  	v44 =	vmovc v24;
	s21 =	sor.u32 s20, s7;
	v53 =	vld.idx.msk [tilespmem:v40+s26+$0x0], $0xffff;
	v29 =	vadd.f32 v46, v29;
	v31 =	vmul.f32 $1.442695020e+00, v31;
	[dreg:$0x1b] =	wrdreg s18;
	(erf) = vrcp.f32 v55  }
0x24a: {  	s10 =	sor.u32 $0x20, s25;
	v42 =	vmov v15;
	v37 =	vld.idx.msk [tilespmem:v47+s26+$0x0], $0xffff;
	v15 =	vmov v8;
	v8 =	vmov v18;
	s18 =	smov.u32 s21;
	s15 =	rddreg [dreg:$0x10];
	v18 =	vpop (erf)  }
0x24b: {  	s23 =	smov.u32 s13;
	s19 =	sor.u32 s20, s10;
	[smem:$0x7EC] =	sst s18;
	v20 =	vld [tilespmem:s21+$0x15400];
	(erf) = vpow2.f32 v31;
	v24 =	vsub.f32 $1.000000000e+00, v18;
	v31 =	vadd.s32 $0x11800, v17;
	v17 =	vpop (erf)  }
0x24c: {  	s14 =	smov.u32 s24;
	s13 =	sor.u32 $0x30, s25;
	v43 =	vadd.s32 $0x2800, v1;
	v29 =	vmul.f32 $1.442695020e+00, v29;
	s21 =	sld [smem:$0x7ED];
	v18 =	vld [tilespmem:s19+$0x15400];
	(erf) = vrcp.f32 v52;
	v57 =	vpop (erf)  }
0x24d: {  	s24 =	sor.u32 s20, s13;
	v45 =	vadd.s32 $0x2800, v8;
	v9 =	vmov v16;
	v16 =	vld [tilespmem:s12+$0x15400];
	(erf) = vpow2.f32 v41;
	[tilespmem:s29+$0x19000] =	vst v24;
	s29 =	smov.u32 s19;
	s19 =	sld [smem:$0x7EB];
	v46 =	vpop (erf)  }
0x24e: {  	s6 =	sor.u32 s25, s20;
	v28 =	vld [tilespmem:s24+$0x15400];
	s18 =	sld [smem:$0x7EA];
	v38 =	vadd.f32 $5.000000000e-01, v54;
	(erf) = vpow2.f32 v29;
	v29 =	vsub.f32 $1.000000000e+00, v46;
	v59 =	vpop (erf)  }
0x24f: {  	v32 =	vld [tilespmem:s6+$0x15400];
	[smem:$0x7ED] =	sst s29;
	s29 =	smov.u32 s2;
	v47 =	vpop (erf)  }
0x250: {  	v26 =	vld [tilespmem:s2+$0x15400];
	(erf) = vrcp.f32 v38;
	[smem:$0x7EB] =	sst s29;
	v38 =	vsub.f32 $1.000000000e+00, v59;
	[tilespmem:s21+$0x19000] =	vst v29;
	v60 =	vpop (erf);
	s21 =	smov.u32 s19  }
0x251: {  	v56 =	vadd.f32 v53, v34;
	v24 =	vld.idx.msk [tilespmem:v43+s26+$0x0], $0xffff;
	v62 =	vpop (erf);
	[smem:$0x7EA] =	sst s21  }
0x252: {  	v37 =	vadd.f32 v37, v44;
	v44 =	vadd.s32 $0xA000, v16;
	v45 =	vld.idx.msk [tilespmem:v45+s26+$0x0], $0xffff;
	[tilespmem:s18+$0x19000] =	vst v38;
	s21 =	sadd.s32 $0x1A480, s30;
	s30 =	smov.u32 s31;
	s18 =	smov.u32 s15;
	v54 =	vpop (erf);
	v43 =	vsub.f32 $1.000000000e+00, v62  }
0x253: {  	v40 =	vadd.s32 $0xA000, v27;
	v41 =	vld.idx.msk [tilespmem:v58+s26+$0x0], $0xffff;
	s29 =	sadd.s32 $0x1A400, s30;
	s15 =	sor.u32 s9, s21;
	s31 =	sor.u32 s22, s21;
	v52 =	vsub.f32 $1.000000000e+00, v54  }
0x254: {  	v48 =	vmul.f32 $1.442695020e+00, v56;
	v56 =	vld.idx.msk [tilespmem:v18+s26+$0x0], $0xffff;
	s9 =	smov.u32 s17;
	s22 =	rddreg [dreg:$0x6];
	s17 =	sor.u32 s17, s29;
	[tilespmem:s31+$0x0] =	vst v43  }
0x255: {  	v30 =	vld [tilespmem:s8+$0x15400];
	v29 =	vsub.f32 $1.000000000e+00, v47;
	s2 =	sor.u32 s16, s29;
	s31 =	sor.u32 s3, s21;
	[tilespmem:s17+$0x0] =	vst v52;
	s17 =	rddreg [dreg:$0x8]  }
0x256: {  	v22 =	vadd.s32 $0x7800, v22;
	v36 =	vld.idx.msk [tilespmem:v28+s26+$0x0], $0xffff;
	s3 =	smov.u32 s16;
	s16 =	smov.u32 s17;
	s17 =	rddreg [dreg:$0x12]  }
0x257: {  	v23 =	vadd.s32 $0x11800, v23;
	v19 =	vadd.s32 $0x11800, v19;
	(erf) = vpow2.f32 v48;
	v44 =	vld.idx.msk [tilespmem:v44+s26+$0x0], $0xffff;
	[tilespmem:s4+$0x19000] =	vst v29;
	s4 =	rddreg [dreg:$0xe];
	s21 =	sor.u32 s5, s21;
	s5 =	smov.u32 s17  }
0x258: {  	v63 =	vadd.s32 $0x5000, v15;
	v61 =	vadd.f32 $5.000000000e-01, v57;
	v40 =	vld.idx.msk [tilespmem:v40+s26+$0x0], $0xffff;
	v50 =	vadd.f32 $5.000000000e-01, v60;
	s17 =	smov.u32 s25;
	[dreg:$0x8] =	wrdreg s5  }
0x259: {  	v33 =	vadd.s32 $0x11800, v33;
	v37 =	vmul.f32 $1.442695020e+00, v37;
	v46 =	vadd.s32 $0xA000, v26;
	v49 =	vld.idx.msk [tilespmem:v20+s26+$0x0], $0xffff;
	v55 =	vpop (erf);
	[dreg:$0x12] =	wrdreg s17  }
0x25a: {  	v17 =	vadd.f32 $5.000000000e-01, v17;
	v57 =	vadd.s32 $0x7800, v42;
	(erf) = vrcp.f32 v50;
	v51 =	vpop (erf);
	s5 =	rddreg [dreg:$0x14]  }
0x25b: {  	v35 =	vadd.s32 $0xA000, v30;
	(erf) = vpow2.f32 v37;
	v39 =	vadd.f32 $5.000000000e-01, v55;
	v59 =	vpop (erf);
	s17 =	smov.u32 s20;
	s20 =	rddreg [dreg:$0x9]  }
0x25c: {  	v53 =	vadd.s32 $0xC800, v6;
	v60 =	vadd.s32 $0x2800, v4;
	(erf) = vrcp.f32 v61;
	v61 =	vpop (erf);
	[dreg:$0x14] =	wrdreg s17  }
0x25d: {  	v58 =	vadd.s32 $0x2800, v10;
	s19 =	sor.u32 s22, s29;
	v38 =	vadd.f32 $5.000000000e-01, v59;
	(erf) = vrcp.f32 v39;
	v47 =	vld.idx.msk [tilespmem:v63+s26+$0x0], $0xffff;
	v63 =	vpop (erf);
	s25 =	smov.u32 s5;
	s5 =	rddreg [dreg:$0x16]  }
0x25e: {  	v40 =	vadd.f32 v40, v49;
	v43 =	vld.idx.msk [tilespmem:v46+s26+$0x0], $0xffff;
	(erf) = vrcp.f32 v17;
	v17 =	vmovc v0;
	v0 =	vmovc v21;
	v21 =	vadd.s32 $0xF000, v7;
	s17 =	smov.u32 s4;
	s4 =	smov.u32 s24;
	s24 =	sld [smem:$0x7E5]  }
0x25f: {  	v55 =	vadd.s32 $0x7800, v12;
	v37 =	vld.idx.msk [tilespmem:v57+s26+$0x0], $0xffff;
	v48 =	vadd.f32 $5.000000000e-01, v61;
	(erf) = vrcp.f32 v38;
	[dreg:$0x10] =	wrdreg s25;
	s25 =	smov.u32 s22;
	s22 =	smov.u32 s20  }
0x260: {  	v62 =	vsub.f32 $1.000000000e+00, v51;
	v36 =	vadd.f32 v44, v36;
	v23 =	vld.idx.msk [tilespmem:v23+s26+$0x0], $0xffff;
	v38 =	vadd.s32 $0x7800, v5;
	v5 =	vpop (erf);
	[dreg:$0x6] =	wrdreg s22;
	s22 =	smov.u32 s13  }
0x261: {  	v34 =	vld.idx.msk [tilespmem:v32+s26+$0x0], $0xffff;
	v52 =	vsub.f32 $1.000000000e+00, v63;
	(erf) = vrcp.f32 v48;
	v54 =	vadd.f32 $5.000000000e-01, v5;
	[dreg:$0x16] =	wrdreg s22  }
0x262: {  	v12 =	vmovc v11;
	v40 =	vmul.f32 $1.442695020e+00, v40;
	v41 =	vadd.f32 v41, v45;
	v29 =	vld.idx.msk [tilespmem:v58+s26+$0x0], $0xffff;
	v36 =	vmul.f32 $1.442695020e+00, v36;
	v5 =	vmovc v3;
	s22 =	smov.u32 s9;
	s9 =	rddreg [dreg:$0x1e]  }
0x263: {  	v3 =	vmov v4;
	v4 =	vmov v32;
	(erf) = vrcp.f32 v54;
	v57 =	vpop (erf);
	v21 =	vld.idx.msk [tilespmem:v21+s26+$0x0], $0xffff;
	[tilespmem:s9+$0x19000] =	vst v52  }
0x264: {  	v56 =	vadd.f32 v43, v56;
	v43 =	vadd.s32 $0x5000, v5;
	v58 =	vpop (erf);
	v59 =	vsub.f32 $1.000000000e+00, v57;
	v11 =	vld.idx.msk [tilespmem:v35+s26+$0x0], $0xffff;
	[tilespmem:s24+$0x19000] =	vst v62  }
0x265: {  	v41 =	vmul.f32 $1.442695020e+00, v41;
	s20 =	smov.u32 s5;
	v23 =	vadd.f32 v23, v37;
	v61 =	vpop (erf);
	v42 =	vld.idx.msk [tilespmem:v60+s26+$0x0], $0xffff;
	v60 =	vadd.f32 $5.000000000e-01, v58  }
0x266: {  	[dreg:$0x9] =	wrdreg s20;
	(erf) = vpow2.f32 v40;
	v62 =	vadd.s32 $0xF000, v2;
	v40 =	vld.idx.msk [tilespmem:v53+s26+$0x0], $0xffff;
	v63 =	vsub.f32 $1.000000000e+00, v61;
	[tilespmem:s19+$0x0] =	vst v59;
	v51 =	vpop (erf)  }
0x267: {  	s20 =	sld [smem:$0x7E4];
	v54 =	vadd.s32 $0xF000, v13;
	v32 =	vmul.f32 $1.442695020e+00, v56;
	v52 =	vld.idx.msk [tilespmem:v55+s26+$0x0], $0xffff;
	v53 =	vpop (erf);
	(erf) = vrcp.f32 v60  }
0x268: {  	v23 =	vmul.f32 $1.442695020e+00, v23;
	v35 =	vadd.s32 $0x5000, v12;
	v39 =	vsub.f32 $1.000000000e+00, v51;
	v55 =	vld.idx.msk [tilespmem:v33+s26+$0x0], $0xffff;
	[tilespmem:s2+$0x0] =	vst v63;
	v57 =	vpop (erf)  }
0x269: {  	s1 =	sadd.s32 $0x4, s1;
	s0 =	sadd.s32 $0x40, s0;
	v56 =	vsub.f32 $1.000000000e+00, v53;
	(erf) = vpow2.f32 v32;
	v43 =	vld.idx.msk [tilespmem:v43+s26+$0x0], $0xffff;
	v45 =	vsub.f32 $1.000000000e+00, v57  }
0x26a: {  	s13 =	smov.u32 s23;
	s23 =	smov.u32 s20;
	s19 =	sld [smem:$0x7E7];
	v60 =	vadd.f32 v21, v47;
	v58 =	vpop (erf);
	v32 =	vld.idx.msk [tilespmem:v38+s26+$0x0], $0xffff;
	v34 =	vadd.f32 v11, v34;
	(erf) = vpow2.f32 v36  }
0x26b: {  	p3 =	slt.u32 s1, $0x9C;
	p2 =	por !p2, !p2;
	[dreg:$0x1e] =	wrdreg s23;
	v33 =	vadd.s32 $0xC800, v9;
	v11 =	vmovc v10;
	v59 =	vld.idx.msk [tilespmem:v62+s26+$0x0], $0xffff;
	v61 =	vsub.f32 $1.000000000e+00, v58;
	v10 =	vmovc v28;
	(erf) = vpow2.f32 v41;
	[tilespmem:s31+$0x0] =	vst v45  }
0x26c: {  	s11 =	sadd.s32 $0x80, s11;
	s23 =	smov.u32 s8;
	s8 =	sld [smem:$0x7E6];
	[tilespmem:s21+$0x0] =	vst v56;
	v62 =	vadd.f32 v40, v42;
	v41 =	vmul.f32 $1.442695020e+00, v60;
	v34 =	vmul.f32 $1.442695020e+00, v34;
	v28 =	vld.idx.msk [tilespmem:v19+s26+$0x0], $0xffff;
	v19 =	vpop (erf)  }
.Ltmp6:
0x26d: {  	s29 =	sor.u32 s14, s29;
	[dreg:$0xe] =	wrdreg s13;
	v21 =	vmovc v27;
	(erf) = vpow2.f32 v23;
	[tilespmem:s19+$0x19000] =	vst v61;
	v37 =	vadd.f32 v55, v52;
	v63 =	vsub.f32 $1.000000000e+00, v19;
	(pc) =	sbr.rel @p3 .LBB2_6-.Ltmp6, $4  }
0x26e: {  	s13 =	smov.u32 s10;
	s10 =	smov.u32 s6;
	s20 =	sld [smem:$0x7E8];
	[tilespmem:s15+$0x0] =	vst v39;
	v23 =	vmovc v7;
	v19 =	vmovc v2;
	v40 =	vmul.f32 $1.442695020e+00, v62;
	v27 =	vld.idx.msk [tilespmem:v54+s26+$0x0], $0xffff;
	v2 =	vmov v6;
	v6 =	vmov v30  }
0x26f: {  	s6 =	rddreg [dreg:$0xc];
	s9 =	smov.u32 s14;
	s14 =	smov.u32 s8;
	v35 =	vld.idx.msk [tilespmem:v35+s26+$0x0], $0xffff;
	(erf) = vpow2.f32 v34;
	v30 =	vpop (erf);
	v34 =	vadd.s32 $0x5000, v25;
	v36 =	vmul.f32 $1.442695020e+00, v37;
	[tilespmem:s29+$0x0] =	vst v63  }
0x270: {  	s5 =	smov.u32 s12;
	s24 =	smov.u32 s6;
	[dreg:$0xc] =	wrdreg s14;
	(erf) = vpow2.f32 v41;
	v38 =	vadd.f32 $5.000000000e-01, v30;
	v39 =	vadd.f32 v59, v43;
	v30 =	vld.idx.msk [tilespmem:v22+s26+$0x0], $0xffff;
	v7 =	vpop (erf)  }
0x271: {  	s14 =	smov.u32 s7;
	s21 =	smov.u32 s20;
	s31 =	smov.u32 s18;
	(erf) = vpow2.f32 v40;
	v31 =	vld.idx.msk [tilespmem:v31+s26+$0x0], $0xffff;
	v22 =	vmovc v25;
	v37 =	vsub.f32 $1.000000000e+00, v7;
	v7 =	vmovc v14;
	v14 =	vmov v26  }
0x272: {  	_ = 	snop  }
0x273: {  	v25 =	vpop (erf)  }
0x274: {  	(erf) = vrcp.f32 v38;
	v61 =	vmul.f32 $1.442695020e+00, v39;
	v26 =	vpop (erf)  }
0x275: {  	v62 =	vadd.s32 $0xF000, v17;
	v25 =	vadd.f32 $5.000000000e-01, v25;
	v40 =	vpop (erf);
	(erf) = vpow2.f32 v36  }
0x276: {  	v27 =	vadd.f32 v27, v35;
	v63 =	vadd.f32 $5.000000000e-01, v40;
	(erf) = vpow2.f32 v61  }
0x277: {  	v33 =	vld.idx.msk [tilespmem:v33+s26+$0x0], $0xffff;
	v26 =	vadd.f32 $5.000000000e-01, v26;
	v40 =	vpop (erf);
	(erf) = vrcp.f32 v25  }
0x278: {  	v41 =	vadd.s32 $0xC800, v0;
	[tilespmem:s28+$0x19000] =	vst v37;
	v27 =	vmul.f32 $1.442695020e+00, v27;
	v42 =	vpop (erf);
	(erf) = vrcp.f32 v63  }
0x279: {  	v44 =	vld.idx.msk [tilespmem:v34+s26+$0x0], $0xffff;
	v30 =	vadd.f32 v31, v30;
	v35 =	vadd.f32 $5.000000000e-01, v40;
	(erf) = vrcp.f32 v26;
	v43 =	vpop (erf)  }
0x27a: {  	v46 =	vld.idx.msk [tilespmem:v62+s26+$0x0], $0xffff;
	v26 =	vadd.f32 $5.000000000e-01, v43;
	(erf) = vpow2.f32 v27  }
0x27b: {  	v45 =	vadd.f32 v28, v32;
	v30 =	vmul.f32 $1.442695020e+00, v30;
	(erf) = vrcp.f32 v35  }
0x27c: {  	v29 =	vadd.f32 v33, v29;
	v47 =	vadd.f32 $5.000000000e-01, v42;
	v48 =	vpop (erf);
	(erf) = vrcp.f32 v26  }
0x27d: {  	v49 =	vmul.f32 $1.442695020e+00, v45;
	v25 =	vpop (erf);
	(erf) = vpow2.f32 v30  }
0x27e: {  	v50 =	vld.idx.msk [tilespmem:v41+s26+$0x0], $0xffff;
	v29 =	vmul.f32 $1.442695020e+00, v29;
	v51 =	vpop (erf);
	(erf) = vrcp.f32 v47  }
0x27f: {  	v53 =	vadd.f32 v46, v44;
	v52 =	vpop (erf);
	(erf) = vpow2.f32 v49  }
0x280: {  	v55 =	vadd.f32 $5.000000000e-01, v48;
	v54 =	vpop (erf);
	(erf) = vpow2.f32 v29  }
0x281: {  	v26 =	vmul.f32 $1.442695020e+00, v53;
	v56 =	vpop (erf)  }
0x282: {  	(erf) = vrcp.f32 v55;
	v33 =	vpop (erf)  }
0x283: {  	v27 =	vadd.f32 v50, v24;
	v57 =	vpop (erf);
	(erf) = vpow2.f32 v26  }
0x284: {  	v58 =	vadd.f32 $5.000000000e-01, v57;
	v24 =	vpop (erf)  }
0x285: {  	v60 =	vadd.s32 $0x2800, v18;
	v15 =	vadd.s32 $0x7800, v15;
	s0 =	sld [smem:$0x7ED];
	v27 =	vmul.f32 $1.442695020e+00, v27;
	v59 =	vpop (erf)  }
0x286: {  	v32 =	vadd.f32 $5.000000000e-01, v52;
	v40 =	vsub.f32 $1.000000000e+00, v54;
	(erf) = vrcp.f32 v58;
	v61 =	vpop (erf)  }
0x287: {  	v62 =	vadd.s32 $0xC800, v14;
	v63 =	vpop (erf);
	(erf) = vpow2.f32 v27;
	v26 =	vadd.f32 $5.000000000e-01, v61  }
0x288: {  	v41 =	vadd.f32 $5.000000000e-01, v51;
	v49 =	vadd.s32 $0xF000, v7;
	[tilespmem:s0+$0x19000] =	vst v40;
	(erf) = vrcp.f32 v32;
	v42 =	vpop (erf)  }
0x289: {  	v23 =	vadd.s32 $0x11800, v23;
	s1 =	sld [smem:$0x7EA];
	v44 =	vpop (erf);
	v30 =	vadd.f32 $5.000000000e-01, v42;
	(erf) = vrcp.f32 v26  }
0x28a: {  	v46 =	vsub.f32 $1.000000000e+00, v56;
	v45 =	vadd.f32 $5.000000000e-01, v44;
	(erf) = vrcp.f32 v41  }
0x28b: {  	s19 =	sadd.s32 $0x1A400, s31;
	v43 =	vadd.s32 $0x5000, v8;
	v47 =	vld.idx.msk [tilespmem:v60+s26+$0x0], $0xffff;
	v29 =	vsub.f32 $1.000000000e+00, v59;
	v48 =	vpop (erf);
	(erf) = vrcp.f32 v30  }
0x28c: {  	s20 =	sor.u32 s17, s19;
	v50 =	vld.idx.msk [tilespmem:v62+s26+$0x0], $0xffff;
	[tilespmem:s1+$0x19000] =	vst v46;
	(erf) = vrcp.f32 v45;
	v51 =	vpop (erf)  }
0x28d: {  	v52 =	vadd.s32 $0x2800, v4;
	v31 =	vld.idx.msk [tilespmem:v49+s26+$0x0], $0xffff;
	[tilespmem:s20+$0x0] =	vst v29;
	v27 =	vadd.f32 $5.000000000e-01, v51  }
0x28e: {  	v54 =	vadd.s32 $0xC800, v6;
	v36 =	vsub.f32 $1.000000000e+00, v63;
	v53 =	vld.idx.msk [tilespmem:v15+s26+$0x0], $0xffff  }
0x28f: {  	v56 =	vadd.s32 $0x7800, v12;
	v23 =	vld.idx.msk [tilespmem:v23+s26+$0x0], $0xffff;
	v55 =	vpop (erf);
	(erf) = vrcp.f32 v27  }
0x290: {  	v58 =	vadd.s32 $0x11800, v13;
	v32 =	vld.idx.msk [tilespmem:v43+s26+$0x0], $0xffff;
	[tilespmem:s10+$0x19000] =	vst v36;
	v57 =	vpop (erf)  }
0x291: {  	v60 =	vadd.s32 $0x5000, v3;
	s2 =	rddreg [dreg:$0x6];
	v35 =	vsub.f32 $1.000000000e+00, v55;
	v59 =	vpop (erf)  }
0x292: {  	v61 =	vadd.s32 $0xF000, v2;
	v26 =	vadd.f32 v50, v47;
	v29 =	vld.idx.msk [tilespmem:v52+s26+$0x0], $0xffff;
	s28 =	sor.u32 s2, s19;
	v12 =	vpop (erf)  }
0x293: {  	v46 =	vadd.s32 $0x2800, v10;
	v30 =	vsub.f32 $1.000000000e+00, v48;
	v62 =	vld.idx.msk [tilespmem:v54+s26+$0x0], $0xffff;
	v27 =	vadd.f32 $5.000000000e-01, v57;
	[tilespmem:s28+$0x0] =	vst v35;
	v13 =	vpop (erf)  }
0x294: {  	v63 =	vadd.s32 $0xF000, v9;
	v26 =	vmul.f32 $1.442695020e+00, v26;
	v23 =	vadd.f32 v23, v53;
	v37 =	vld.idx.msk [tilespmem:v56+s26+$0x0], $0xffff;
	s1 =	rddreg [dreg:$0x1e];
	v15 =	vpop (erf)  }
0x295: {  	v41 =	vadd.s32 $0x5000, v11;
	v44 =	vadd.f32 v31, v32;
	(erf) = vrcp.f32 v27;
	v43 =	vld.idx.msk [tilespmem:v58+s26+$0x0], $0xffff;
	[tilespmem:s1+$0x19000] =	vst v30;
	v42 =	vpop (erf)  }
0x296: {  	v23 =	vmul.f32 $1.442695020e+00, v23;
	(erf) = vpow2.f32 v26;
	v28 =	vld.idx.msk [tilespmem:v60+s26+$0x0], $0xffff;
	v45 =	vsub.f32 $1.000000000e+00, v42  }
0x297: {  	v22 =	vadd.s32 $0x7800, v22;
	v26 =	vmul.f32 $1.442695020e+00, v44;
	v48 =	vld.idx.msk [tilespmem:v61+s26+$0x0], $0xffff  }
0x298: {  	v33 =	vsub.f32 $1.000000000e+00, v33;
	v47 =	vadd.s32 $0x11800, v17;
	(erf) = vpow2.f32 v23;
	[tilespmem:s21+$0x19000] =	vst v45;
	v49 =	vpop (erf)  }
0x299: {  	v5 =	vadd.s32 $0x7800, v5;
	(erf) = vpow2.f32 v26;
	v50 =	vld.idx.msk [tilespmem:v63+s26+$0x0], $0xffff;
	v34 =	vsub.f32 $1.000000000e+00, v49  }
0x29a: {  	v19 =	vadd.s32 $0x11800, v19;
	s29 =	sor.u32 s24, s19;
	v29 =	vadd.f32 v62, v29;
	[tilespmem:s4+$0x19000] =	vst v33;
	v27 =	vld.idx.msk [tilespmem:v41+s26+$0x0], $0xffff  }
0x29b: {  	v52 =	vadd.s32 $0xC800, v16;
	v51 =	vsub.f32 $1.000000000e+00, v59;
	v32 =	vld.idx.msk [tilespmem:v46+s26+$0x0], $0xffff;
	v30 =	vadd.f32 v43, v37;
	[tilespmem:s29+$0x0] =	vst v34  }
0x29c: {  	s0 =	sor.u32 s16, s19;
	v29 =	vmul.f32 $1.442695020e+00, v29;
	v28 =	vadd.f32 v48, v28;
	v22 =	vld.idx.msk [tilespmem:v22+s26+$0x0], $0xffff  }
0x29d: {  	[tilespmem:s0+$0x0] =	vst v51;
	v30 =	vmul.f32 $1.442695020e+00, v30;
	v17 =	vld.idx.msk [tilespmem:v47+s26+$0x0], $0xffff  }
0x29e: {  	v53 =	vadd.s32 $0x5000, v1;
	v5 =	vld.idx.msk [tilespmem:v5+s26+$0x0], $0xffff;
	(erf) = vpow2.f32 v29;
	v54 =	vpop (erf);
	v28 =	vmul.f32 $1.442695020e+00, v28  }
0x29f: {  	v19 =	vld.idx.msk [tilespmem:v19+s26+$0x0], $0xffff;
	(erf) = vpow2.f32 v30;
	v56 =	vpop (erf);
	v57 =	vsub.f32 $1.000000000e+00, v54;
	v23 =	vadd.f32 v50, v27  }
0x2a0: {  	v55 =	vadd.s32 $0xF000, v0;
	v33 =	vld.idx.msk [tilespmem:v52+s26+$0x0], $0xffff;
	s0 =	rddreg [dreg:$0x1a];
	v58 =	vadd.f32 $5.000000000e-01, v56;
	(erf) = vpow2.f32 v28  }
0x2a1: {  	v59 =	vadd.s32 $0x2800, v20;
	v60 =	vadd.s32 $0xC800, v21;
	v61 =	vpop (erf);
	[tilespmem:s0+$0x19000] =	vst v57;
	v23 =	vmul.f32 $1.442695020e+00, v23  }
0x2a2: {  	v28 =	vadd.f32 $5.000000000e-01, v61;
	v62 =	vpop (erf);
	(erf) = vrcp.f32 v58;
	s0 =	sld [smem:$0x7EC];
	v17 =	vadd.f32 v17, v22  }
0x2a3: {  	v25 =	vsub.f32 $1.000000000e+00, v25;
	v29 =	vadd.f32 $5.000000000e-01, v62;
	(erf) = vpow2.f32 v23  }
0x2a4: {  	v5 =	vadd.f32 v19, v5;
	v26 =	vld.idx.msk [tilespmem:v53+s26+$0x0], $0xffff;
	v17 =	vmul.f32 $1.442695020e+00, v17;
	(erf) = vrcp.f32 v28  }
0x2a5: {  	v31 =	vadd.f32 v33, v32;
	v63 =	vld.idx.msk [tilespmem:v55+s26+$0x0], $0xffff;
	[tilespmem:s0+$0x19000] =	vst v25;
	(erf) = vrcp.f32 v29  }
0x2a6: {  	v5 =	vmul.f32 $1.442695020e+00, v5;
	v30 =	vld.idx.msk [tilespmem:v59+s26+$0x0], $0xffff;
	(erf) = vpow2.f32 v17  }
0x2a7: {  	v33 =	vpop (erf);
	v25 =	vmul.f32 $1.442695020e+00, v31;
	v32 =	vld.idx.msk [tilespmem:v60+s26+$0x0], $0xffff  }
0x2a8: {  	v34 =	vpop (erf);
	(erf) = vpow2.f32 v5  }
0x2a9: {  	v35 =	vadd.f32 $5.000000000e-01, v33;
	v36 =	vpop (erf);
	(erf) = vpow2.f32 v25  }
0x2aa: {  	v22 =	vadd.f32 v63, v26  }
0x2ab: {  	v37 =	vpop (erf);
	(erf) = vrcp.f32 v35  }
0x2ac: {  	v22 =	vmul.f32 $1.442695020e+00, v22;
	v38 =	vadd.f32 v32, v30;
	v39 =	vpop (erf)  }
0x2ad: {  	v19 =	vadd.f32 $5.000000000e-01, v39;
	v5 =	vpop (erf)  }
0x2ae: {  	(erf) = vpow2.f32 v22;
	v40 =	vmul.f32 $1.442695020e+00, v38;
	v41 =	vpop (erf)  }
0x2af: {  	v17 =	vadd.f32 $5.000000000e-01, v36;
	(erf) = vrcp.f32 v19;
	v42 =	vpop (erf)  }
0x2b0: {  	(erf) = vpow2.f32 v40;
	v19 =	vadd.f32 $5.000000000e-01, v42  }
0x2b1: {  	v45 =	vadd.f32 $5.000000000e-01, v34;
	v46 =	vpop (erf);
	(erf) = vrcp.f32 v17  }
0x2b2: {  	v48 =	vpop (erf);
	v17 =	vadd.f32 $5.000000000e-01, v46;
	(erf) = vrcp.f32 v19  }
0x2b3: {  	s1 =	sld [smem:$0x7EB];
	v50 =	vadd.f32 $5.000000000e-01, v48;
	(erf) = vrcp.f32 v45  }
0x2b4: {  	v44 =	vadd.s32 $0x5000, v18;
	v43 =	vsub.f32 $1.000000000e+00, v37;
	v51 =	vpop (erf);
	(erf) = vrcp.f32 v17  }
0x2b5: {  	v47 =	vadd.s32 $0x7800, v8;
	(erf) = vrcp.f32 v50  }
0x2b6: {  	v49 =	vadd.s32 $0x11800, v7;
	s10 =	rddreg [dreg:$0x10];
	[tilespmem:s1+$0x19000] =	vst v43  }
0x2b7: {  	v52 =	vadd.s32 $0xF000, v14;
	s4 =	sadd.s32 $0x1A400, s10;
	s8 =	rddreg [dreg:$0xe];
	v23 =	vsub.f32 $1.000000000e+00, v41;
	v53 =	vpop (erf)  }
0x2b8: {  	s11 =	sor.u32 s8, s4;
	v54 =	vpop (erf)  }
0x2b9: {  	v22 =	vld.idx.msk [tilespmem:v44+s26+$0x0], $0xffff;
	[tilespmem:s11+$0x0] =	vst v23;
	v19 =	vadd.f32 $5.000000000e-01, v53;
	v56 =	vpop (erf)  }
0x2ba: {  	v23 =	vld.idx.msk [tilespmem:v47+s26+$0x0], $0xffff;
	v60 =	vpop (erf)  }
0x2bb: {  	v55 =	vld.idx.msk [tilespmem:v49+s26+$0x0], $0xffff;
	(erf) = vrcp.f32 v19;
	v7 =	vpop (erf)  }
0x2bc: {  	v61 =	vadd.s32 $0x5000, v4;
	v17 =	vld.idx.msk [tilespmem:v52+s26+$0x0], $0xffff;
	v58 =	vadd.f32 $5.000000000e-01, v56;
	v8 =	vpop (erf)  }
0x2bd: {  	v59 =	vadd.s32 $0x11800, v9;
	v63 =	vadd.s32 $0xF000, v6;
	v26 =	vsub.f32 $1.000000000e+00, v51;
	v9 =	vpop (erf)  }
0x2be: {  	v57 =	vadd.s32 $0x7800, v11;
	s6 =	rddreg [dreg:$0x9];
	v62 =	vsub.f32 $1.000000000e+00, v54;
	(erf) = vrcp.f32 v58;
	v35 =	vpop (erf)  }
0x2bf: {  	s12 =	sor.u32 s6, s4;
	[tilespmem:s23+$0x19000] =	vst v26;
	v38 =	vsub.f32 $1.000000000e+00, v35  }
0x2c0: {  	v33 =	vadd.s32 $0xF000, v16;
	v23 =	vadd.f32 v55, v23;
	[tilespmem:s12+$0x0] =	vst v62  }
0x2c1: {  	v34 =	vadd.s32 $0x5000, v10;
	v40 =	vld.idx.msk [tilespmem:v61+s26+$0x0], $0xffff;
	v17 =	vadd.f32 v17, v22;
	[tilespmem:s5+$0x19000] =	vst v38  }
0x2c2: {  	v36 =	vadd.s32 $0x7800, v3;
	v19 =	vld.idx.msk [tilespmem:v63+s26+$0x0], $0xffff;
	v23 =	vmul.f32 $1.442695020e+00, v23;
	v28 =	vsub.f32 $1.000000000e+00, v60;
	s5 =	rddreg [dreg:$0x8]  }
0x2c3: {  	v39 =	vadd.s32 $0x7800, v1;
	v17 =	vmul.f32 $1.442695020e+00, v17;
	v11 =	vld.idx.msk [tilespmem:v57+s26+$0x0], $0xffff;
	s15 =	sor.u32 s5, s4  }
0x2c4: {  	v41 =	vadd.s32 $0x11800, v0;
	v37 =	vld.idx.msk [tilespmem:v59+s26+$0x0], $0xffff;
	(erf) = vpow2.f32 v23;
	v42 =	vpop (erf);
	[tilespmem:s15+$0x0] =	vst v28  }
0x2c5: {  	v43 =	vadd.s32 $0x11800, v2;
	(erf) = vpow2.f32 v17;
	v44 =	vsub.f32 $1.000000000e+00, v42;
	v26 =	vld.idx.msk [tilespmem:v33+s26+$0x0], $0xffff;
	s7 =	rddreg [dreg:$0xc]  }
0x2c6: {  	v45 =	vadd.s32 $0x5000, v20;
	v25 =	vld.idx.msk [tilespmem:v34+s26+$0x0], $0xffff;
	s0 =	sor.u32 s7, s4  }
0x2c7: {  	v47 =	vadd.s32 $0xF000, v21;
	v3 =	vld.idx.msk [tilespmem:v36+s26+$0x0], $0xffff;
	v46 =	vpop (erf);
	[tilespmem:s0+$0x0] =	vst v44  }
0x2c8: {  	v23 =	vsub.f32 $1.000000000e+00, v46;
	v1 =	vld.idx.msk [tilespmem:v39+s26+$0x0], $0xffff  }
0x2c9: {  	v11 =	vadd.f32 v37, v11;
	v0 =	vld.idx.msk [tilespmem:v41+s26+$0x0], $0xffff;
	s0 =	rddreg [dreg:$0x1b]  }
0x2ca: {  	v19 =	vadd.f32 v19, v40;
	v2 =	vld.idx.msk [tilespmem:v43+s26+$0x0], $0xffff;
	[tilespmem:s0+$0x19000] =	vst v23  }
0x2cb: {  	v11 =	vmul.f32 $1.442695020e+00, v11;
	v48 =	vadd.f32 v26, v25;
	v17 =	vld.idx.msk [tilespmem:v45+s26+$0x0], $0xffff  }
0x2cc: {  	v19 =	vmul.f32 $1.442695020e+00, v19;
	v23 =	vld.idx.msk [tilespmem:v47+s26+$0x0], $0xffff  }
0x2cd: {  	(erf) = vpow2.f32 v11;
	v49 =	vpop (erf);
	v22 =	vmul.f32 $1.442695020e+00, v48  }
0x2ce: {  	(erf) = vpow2.f32 v19;
	v11 =	vadd.f32 $5.000000000e-01, v49;
	v50 =	vpop (erf);
	v0 =	vadd.f32 v0, v1  }
0x2cf: {  	v51 =	vadd.f32 $5.000000000e-01, v50;
	(erf) = vpow2.f32 v22  }
0x2d0: {  	v2 =	vadd.f32 v2, v3;
	(erf) = vrcp.f32 v11;
	v0 =	vmul.f32 $1.442695020e+00, v0  }
0x2d1: {  	(erf) = vrcp.f32 v51;
	v52 =	vadd.f32 v23, v17  }
0x2d2: {  	v2 =	vmul.f32 $1.442695020e+00, v2;
	(erf) = vpow2.f32 v0  }
0x2d3: {  	v53 =	vmul.f32 $1.442695020e+00, v52  }
0x2d4: {  	(erf) = vpow2.f32 v2  }
0x2d5: {  	(erf) = vpow2.f32 v53  }
0x2d6: {  	v54 =	vpop (erf)  }
0x2d7: {  	v55 =	vpop (erf)  }
0x2d8: {  	v56 =	vpop (erf)  }
0x2d9: {  	v57 =	vpop (erf)  }
0x2da: {  	v2 =	vadd.f32 $5.000000000e-01, v56;
	v58 =	vpop (erf)  }
0x2db: {  	v1 =	vadd.f32 $5.000000000e-01, v55;
	v59 =	vpop (erf)  }
0x2dc: {  	v60 =	vadd.s32 $0x7800, v18;
	(erf) = vrcp.f32 v2;
	v17 =	vadd.f32 $5.000000000e-01, v59  }
0x2dd: {  	v61 =	vadd.s32 $0x11800, v14;
	s12 =	rddreg [dreg:$0x14];
	v0 =	vadd.f32 $5.000000000e-01, v54;
	(erf) = vrcp.f32 v1;
	v62 =	vpop (erf)  }
0x2de: {  	s18 =	sadd.s32 $0x1A400, s12;
	v11 =	vsub.f32 $1.000000000e+00, v58;
	v1 =	vadd.f32 $5.000000000e-01, v62;
	v63 =	vpop (erf);
	(erf) = vrcp.f32 v17  }
0x2df: {  	s19 =	sor.u32 s13, s18;
	v18 =	vadd.f32 $5.000000000e-01, v63;
	(erf) = vrcp.f32 v0  }
0x2e0: {  	[tilespmem:s19+$0x0] =	vst v11;
	(erf) = vrcp.f32 v1  }
0x2e1: {  	v19 =	vld.idx.msk [tilespmem:v60+s26+$0x0], $0xffff;
	(erf) = vrcp.f32 v18  }
0x2e2: {  	v22 =	vld.idx.msk [tilespmem:v61+s26+$0x0], $0xffff;
	_ =	sdelay $0x2  }
0x2e3: {  	v23 =	vpop (erf)  }
0x2e4: {  	v25 =	vpop (erf)  }
0x2e5: {  	v26 =	vadd.s32 $0x7800, v10;
	v0 =	vadd.f32 v22, v19;
	v27 =	vpop (erf)  }
0x2e6: {  	v28 =	vadd.s32 $0x11800, v16;
	v29 =	vpop (erf)  }
0x2e7: {  	v30 =	vadd.s32 $0x7800, v20;
	s15 =	smov.u32 s13;
	s13 =	rddreg [dreg:$0x16];
	v2 =	vsub.f32 $1.000000000e+00, v23;
	v0 =	vmul.f32 $1.442695020e+00, v0;
	v31 =	vpop (erf)  }
0x2e8: {  	v32 =	vadd.s32 $0x11800, v21;
	s20 =	sor.u32 s13, s18;
	v33 =	vpop (erf)  }
0x2e9: {  	[tilespmem:s20+$0x0] =	vst v2;
	(erf) = vpow2.f32 v0;
	v35 =	vsub.f32 $1.000000000e+00, v33  }
0x2ea: {  	s21 =	sor.u32 s14, s18;
	v37 =	vld.idx.msk [tilespmem:v26+s26+$0x0], $0xffff  }
0x2eb: {  	v1 =	vld.idx.msk [tilespmem:v28+s26+$0x0], $0xffff;
	[tilespmem:s21+$0x0] =	vst v35  }
0x2ec: {  	v39 =	vld.idx.msk [tilespmem:v30+s26+$0x0], $0xffff  }
0x2ed: {  	v34 =	vadd.s32 $0x7800, v4;
	v40 =	vld.idx.msk [tilespmem:v32+s26+$0x0], $0xffff  }
0x2ee: {  	v36 =	vadd.s32 $0x11800, v6  }
0x2ef: {  	v38 =	vsub.f32 $1.000000000e+00, v25;
	s11 =	rddreg [dreg:$0x12]  }
0x2f0: {  	v1 =	vadd.f32 v1, v37;
	s0 =	sor.u32 s11, s18  }
0x2f1: {  	[tilespmem:s0+$0x0] =	vst v38  }
0x2f2: {  	v1 =	vmul.f32 $1.442695020e+00, v1;
	v4 =	vld.idx.msk [tilespmem:v34+s26+$0x0], $0xffff;
	v41 =	vpop (erf);
	v0 =	vadd.f32 v40, v39  }
0x2f3: {  	v2 =	vld.idx.msk [tilespmem:v36+s26+$0x0], $0xffff;
	v6 =	vadd.f32 $5.000000000e-01, v41  }
0x2f4: {  	(erf) = vpow2.f32 v1;
	v0 =	vmul.f32 $1.442695020e+00, v0  }
0x2f5: {  	(erf) = vrcp.f32 v6  }
0x2f6: {  	(erf) = vpow2.f32 v0;
	_ =	sdelay $0x1  }
0x2f7: {  	v2 =	vadd.f32 v2, v4;
	_ =	sdelay $0x1  }
0x2f8: {  	v42 =	vmul.f32 $1.442695020e+00, v2;
	_ =	sdelay $0x1  }
0x2f9: {  	(erf) = vpow2.f32 v42  }
0x2fa: {  	v43 =	vpop (erf)  }
0x2fb: {  	v44 =	vpop (erf)  }
0x2fc: {  	s23 =	sadd.s32 $0x1A480, s30;
	v45 =	vsub.f32 $1.000000000e+00, v24;
	v46 =	vpop (erf)  }
0x2fd: {  	s28 =	sor.u32 s22, s23;
	v47 =	vsub.f32 $1.000000000e+00, v12;
	v4 =	vadd.f32 $5.000000000e-01, v46  }
0x2fe: {  	s29 =	sor.u32 s9, s23;
	v48 =	vsub.f32 $1.000000000e+00, v13;
	[tilespmem:s28+$0x0] =	vst v45  }
0x2ff: {  	s31 =	sadd.s32 $0x1A480, s31;
	s30 =	sor.u32 s25, s23;
	v52 =	vsub.f32 $1.000000000e+00, v7;
	[tilespmem:s29+$0x0] =	vst v47;
	(erf) = vrcp.f32 v4  }
0x300: {  	s4 =	sor.u32 s24, s31;
	v53 =	vsub.f32 $1.000000000e+00, v8;
	[tilespmem:s30+$0x0] =	vst v48  }
0x301: {  	s9 =	sor.u32 s2, s31;
	v54 =	vsub.f32 $1.000000000e+00, v9;
	[tilespmem:s4+$0x0] =	vst v52  }
0x302: {  	s1 =	sor.u32 s16, s31;
	v50 =	vsub.f32 $1.000000000e+00, v15;
	[tilespmem:s9+$0x0] =	vst v53;
	v0 =	vadd.f32 $5.000000000e-01, v43;
	v49 =	vpop (erf)  }
0x303: {  	v51 =	vsub.f32 $1.000000000e+00, v5;
	[tilespmem:s1+$0x0] =	vst v54;
	s0 =	sor.u32 s3, s23;
	v10 =	vadd.f32 $5.000000000e-01, v49  }
0x304: {  	v55 =	vsub.f32 $1.000000000e+00, v57;
	s3 =	sor.u32 s17, s31;
	s17 =	sadd.s32 $0x1A480, s10;
	[tilespmem:s0+$0x0] =	vst v50;
	(erf) = vrcp.f32 v0  }
0x305: {  	v56 =	vsub.f32 $1.000000000e+00, v27;
	[tilespmem:s3+$0x0] =	vst v51;
	s18 =	sor.u32 s8, s17;
	(erf) = vrcp.f32 v10  }
0x306: {  	v57 =	vsub.f32 $1.000000000e+00, v29;
	s19 =	sor.u32 s7, s17;
	[tilespmem:s18+$0x0] =	vst v55  }
0x307: {  	v58 =	vsub.f32 $1.000000000e+00, v31;
	s20 =	sor.u32 s6, s17;
	[tilespmem:s19+$0x0] =	vst v56  }
0x308: {  	s21 =	sadd.s32 $0x1A480, s12;
	s0 =	sor.u32 s5, s17;
	[tilespmem:s20+$0x0] =	vst v57;
	v1 =	vsub.f32 $1.000000000e+00, v44;
	v59 =	vpop (erf)  }
0x309: {  	s22 =	sor.u32 s15, s21;
	[tilespmem:s0+$0x0] =	vst v58;
	v60 =	vsub.f32 $1.000000000e+00, v59  }
0x30a: {  	s23 =	sor.u32 s14, s21;
	[tilespmem:s22+$0x0] =	vst v1  }
0x30b: {  	[tilespmem:s23+$0x0] =	vst v60  }
0x30c: {  	s3 =	sld [smem:$0x7E9]  }
0x30d: {  	v61 =	vpop (erf)  }
0x30e: {  	s24 =	sor.u32 s13, s21;
	v62 =	vsub.f32 $1.000000000e+00, v61;
	v63 =	vpop (erf)  }
0x30f: {  	s28 =	rddreg [dreg:$0x2];
	s29 =	simm.s32 $0x1400;
	v2 =	vsub.f32 $1.000000000e+00, v63;
	s25 =	smul.u32 $0x280, s3  }
0x310: {  	s30 =	simm.s32 $0x9C400;
	s1 =	sor.u32 s11, s21;
	[tilespmem:s24+$0x0] =	vst v62;
	p2 =	sgt.u32 s3, $0x3C  }
0x311: {  	s31 =	simm.s32 $0x19000;
	[tilespmem:s1+$0x0] =	vst v2;
	s1 =	smul.u32 @!p2 $0x1400, s3;
	s0 =	sadd.s32 s28, s25  }
0x312: {  	[hbm4b:s0+s29] =	stream.strided.scatter [tilespmem:s31], [sflag:$0x4], $0x2800, s30, s29, $0x38;
	[tilespmem:$0x1B800] =	vst v63  }
.Ltmp7:
0x313: {  	_ = 	snop;
	(pc) =	sbr.rel .LBB2_8-.Ltmp7, $4  }
0x314: {  	s0 =	sshrl.u32 @!p2 s1, $0x3;
	s1 =	rddreg [dreg:$0x1]  }
0x315: {  	s0 =	sadd.s32 @!p2 s1, s0  }
0x316: {  	s2 =	simm.s32 @!p2 $0x15400;
	s1 =	simm.s32 @!p2 $0x0;
	s0 =	sadd.s32 @!p2 $0xA000, s0  }
0x317: {  	[tilespmem:s2], [sflag:$0x2] =	stream.linear.gather @!p2 [hbm4b:s0+s1], $0x1400, $0x38;
	[tilespmem:$0x1B800] =	vst v63  }
.LBB2_10:
0x318: {  	_ =	sfence.sel $0x180000  }
0x319: {  	[bflag:$0x0] =	sbarrier.arrive $0xFFFF  }
0x31a: {  	_ =	strace $0x90000047  }
0x31b: {  	s0 =	stileid.u32;
	[bflag:$0x2] =	sbarrier.arrive $0xFFFF  }
0x31c: {  	p0 =	sne.s32 s0, $0x0;
	s0 =	rddreg [dreg:$0x3]  }
0x31d: {  	s0 =	sadd.s32 @!p0 $0x100000, s0  }
0x31e: {  	[sflag:s0] =	ssyncadd.tile.s32 @!p0 $0x1;
	_ =	shalt  }
.Lfunc_end2:
_tile_overlayer_lowered:
.L_overlay_start_2:
0x31f: {  	(tag) =	ssettag $0x2  }
0x320: {  	s0 =	rddreg [dreg:$0x0];
	s2 =	stileid.u32  }
0x321: {  	s1 =	rddreg [dreg:$0x1];
	p0 =	sne.s32 s2, $0x0  }
0x322: {  	s3 =	rddreg [dreg:$0x2];
	[bflag:$0x3] =	sbarrier.arrive $0xFFFF;
	s2 =	simm.s32 @!p0 $0x1C05  }
0x323: {  	[timem:s3], [sflag:s2] =	dma.local @!p0 [hbm:s0], s1  }
0x324: {  	s0 =	simm.s32 @!p0 $0x5  }
0x325: {  	_ =	swait.ge @!p0 [sflag:s0], s1  }
0x326: {  	s1 =	ssub.s32 @!p0 $0x0, s1;
	[sflag:s0] =	ssyncset.done @!p0 $0x0  }
0x327: {  	[sflag:s0] =	ssyncadd.s32 @!p0 s1  }
0x328: {  	[bflag:$0x3] =	sbarrier.arrive $0xFFFF  }
0x329: {  	_ =	shalt  }

</sc_bundles>
